<compile_context>
chip_gen: v7x
topology: tpu7x:2x2x1
jax: 0.10.2.dev20260603
libtpu: 0.0.44.dev20260713+nightly
codegen_flags: <defaults>
</compile_context>

<pallas_src>
import functools

import jax
import jax.numpy as jnp
from jax import lax
from jax.experimental import pallas as pl
from jax.experimental.pallas import tpu as pltpu
from jax.experimental.pallas import tpu_sc as plsc

_TEMPERATURE = 2.2
_TINY = float(jnp.finfo(jnp.float32).tiny)
_ROT_A = (13, 15, 26, 6)
_ROT_B = (17, 29, 16, 24)
_KS = (0, 42, 0x1BD11BDA ^ 42)
_INJ = tuple(
    (_KS[(i + 1) % 3], (_KS[(i + 2) % 3] + i + 1) & 0xFFFFFFFF) for i in range(5)
)

_ROWS = 32
_VOCAB = 1_000_000
_TC_BLOCK = 32768
_TC_NBLK = 25
_HEAD = _TC_BLOCK * _TC_NBLK
_TAIL = _VOCAB - _HEAD
_SC_CHUNK = 8192
_SC_FULL_CHUNKS = _TAIL // _SC_CHUNK
_SC_REM = _TAIL - _SC_FULL_CHUNKS * _SC_CHUNK
_TAIL_BLOCK = 16384
_TAIL_NBLK = pl.cdiv(_TAIL, _TAIL_BLOCK)


def _threefry_bits(x1_init):
    x1 = x1_init
    x0 = x1
    x1 = ((x1 << jnp.uint32(13)) | (x1 >> jnp.uint32(19))) ^ x0
    for r in _ROT_A[1:]:
        x0 = x0 + x1
        x1 = ((x1 << jnp.uint32(r)) | (x1 >> jnp.uint32(32 - r))) ^ x0
    x0 = x0 + jnp.uint32(_INJ[0][0])
    x1 = x1 + jnp.uint32(_INJ[0][1])
    for i in range(1, 5):
        rots = _ROT_A if i % 2 == 0 else _ROT_B
        for r in rots:
            x0 = x0 + x1
            x1 = ((x1 << jnp.uint32(r)) | (x1 >> jnp.uint32(32 - r))) ^ x0
        x0 = x0 + jnp.uint32(_INJ[i][0])
        x1 = x1 + jnp.uint32(_INJ[i][1])
    return x0 ^ x1


def _gumbel_from_bits(bits):
    mant = (bits >> jnp.uint32(9)) | jnp.uint32(0x3F800000)
    f = jax.lax.bitcast_convert_type(mant, jnp.float32) - jnp.float32(1.0)
    u = jnp.maximum(jnp.float32(_TINY), f + jnp.float32(_TINY))
    return -jnp.log(-jnp.log(u))




def _sc_bits_body(out_hbm, buf):
    w = lax.axis_index("s") * 2 + lax.axis_index("c")
    lanes = lax.convert_element_type(lax.iota(jnp.int32, 16), jnp.uint32)
    row_base = w * _VOCAB + _HEAD + 42

    def fill(buf_len, chunk_off):
        def body(j, _):
            base = lax.convert_element_type(row_base + chunk_off + j * 16,
                                            jnp.uint32)
            bits = _threefry_bits(lanes + base)
            buf[pl.ds(j * 16, 16)] = bits
            return 0

        lax.fori_loop(0, buf_len // 16, body, 0)

    def chunk_body(ci, _):
        off = ci * _SC_CHUNK
        fill(_SC_CHUNK, off)
        pltpu.sync_copy(buf, out_hbm.at[pl.ds(w * _TAIL + off, _SC_CHUNK)])
        return 0

    lax.fori_loop(0, _SC_FULL_CHUNKS, chunk_body, 0)
    if _SC_REM:
        off = _SC_FULL_CHUNKS * _SC_CHUNK
        fill(_SC_REM, off)
        pltpu.sync_copy(
            buf.at[pl.ds(0, _SC_REM)],
            out_hbm.at[pl.ds(w * _TAIL + off, _SC_REM)],
        )


def _sc_tail_bits():
    mesh = plsc.VectorSubcoreMesh(core_axis_name="c", subcore_axis_name="s")
    return pl.kernel(
        _sc_bits_body,
        mesh=mesh,
        out_type=jax.ShapeDtypeStruct((_ROWS * _TAIL,), jnp.uint32),
        scratch_types=[pltpu.VMEM((_SC_CHUNK,), jnp.uint32)],
    )()




def _head_body(x_ref, ov_ref, oi_ref, rm_ref, ri_ref):
    pid = pl.program_id(0)
    nblk = pl.num_programs(0)
    blk = x_ref[...]
    rows, cw = blk.shape

    loc = jax.lax.broadcasted_iota(jnp.int32, (rows, cw), 1)
    col = loc + pid * _TC_BLOCK
    row = jax.lax.broadcasted_iota(jnp.int32, (rows, cw), 0)
    x1_init = (row * _VOCAB + col + 42).astype(jnp.uint32)
    g = _gumbel_from_bits(_threefry_bits(x1_init))

    pert = blk / jnp.float32(_TEMPERATURE) + g

    rm_old = jnp.where(pid == 0, -jnp.inf, rm_ref[...])
    upd = pert > rm_old
    rm_ref[...] = jnp.where(upd, pert, rm_old)
    ri_ref[...] = jnp.where(upd, col, ri_ref[...])

    @pl.when(pid == nblk - 1)
    def _():
        rm = rm_ref[...]
        m = jnp.max(rm, axis=1, keepdims=True)
        cand = jnp.where(rm == m, ri_ref[...], jnp.int32(0x7FFFFFFF))
        ov_ref[...] = m
        oi_ref[...] = jnp.min(cand, axis=1, keepdims=True)


def _head_scan(logits):
    return pl.pallas_call(
        _head_body,
        grid=(_TC_NBLK,),
        in_specs=[pl.BlockSpec((_ROWS, _TC_BLOCK), lambda i: (0, i))],
        out_specs=[
            pl.BlockSpec((_ROWS, 1), lambda i: (0, 0)),
            pl.BlockSpec((_ROWS, 1), lambda i: (0, 0)),
        ],
        out_shape=[
            jax.ShapeDtypeStruct((_ROWS, 1), jnp.float32),
            jax.ShapeDtypeStruct((_ROWS, 1), jnp.int32),
        ],
        scratch_shapes=[
            pltpu.VMEM((_ROWS, _TC_BLOCK), jnp.float32),
            pltpu.VMEM((_ROWS, _TC_BLOCK), jnp.int32),
        ],
        compiler_params=pltpu.CompilerParams(
            dimension_semantics=("arbitrary",),
        ),
    )(logits)




def _tail_body(x_ref, b_ref, hv_ref, hi_ref, o_ref, rm_ref, ri_ref):
    pid = pl.program_id(0)
    nblk = pl.num_programs(0)
    blk = x_ref[...]
    rows, cw = blk.shape

    loc = jax.lax.broadcasted_iota(jnp.int32, (rows, cw), 1)
    col = loc + (_HEAD + pid * _TAIL_BLOCK)
    g = _gumbel_from_bits(b_ref[...])

    pert = blk / jnp.float32(_TEMPERATURE) + g

    rm_old = jnp.where(pid == 0, -jnp.inf, rm_ref[...])
    upd = (pert > rm_old) & (loc < _TAIL - pid * _TAIL_BLOCK)
    rm_ref[...] = jnp.where(upd, pert, rm_old)
    ri_ref[...] = jnp.where(upd, col, ri_ref[...])

    @pl.when(pid == nblk - 1)
    def _():
        rm = rm_ref[...]
        m = jnp.max(rm, axis=1, keepdims=True)
        cand = jnp.where(rm == m, ri_ref[...], jnp.int32(0x7FFFFFFF))
        ti = jnp.min(cand, axis=1, keepdims=True)
        o_ref[...] = jnp.where(m > hv_ref[...], ti, hi_ref[...])


def _tail_scan(logits, bits, head_val, head_idx):
    return pl.pallas_call(
        _tail_body,
        grid=(_TAIL_NBLK,),
        in_specs=[
            pl.BlockSpec(
                (_ROWS, _TAIL_BLOCK), lambda i: (0, i + _HEAD // _TAIL_BLOCK)
            ),
            pl.BlockSpec((_ROWS, _TAIL_BLOCK), lambda i: (0, i)),
            pl.BlockSpec((_ROWS, 1), lambda i: (0, 0)),
            pl.BlockSpec((_ROWS, 1), lambda i: (0, 0)),
        ],
        out_specs=pl.BlockSpec((_ROWS, 1), lambda i: (0, 0)),
        out_shape=jax.ShapeDtypeStruct((_ROWS, 1), jnp.int32),
        scratch_shapes=[
            pltpu.VMEM((_ROWS, _TAIL_BLOCK), jnp.float32),
            pltpu.VMEM((_ROWS, _TAIL_BLOCK), jnp.int32),
        ],
        compiler_params=pltpu.CompilerParams(
            dimension_semantics=("arbitrary",),
        ),
    )(logits, bits, head_val, head_idx)


@jax.jit
def kernel(logits):
    rows, vocab = logits.shape
    tail_bits = _sc_tail_bits().reshape(_ROWS, _TAIL)
    head_val, head_idx = _head_scan(logits)
    out = _tail_scan(logits, tail_bits, head_val, head_idx)
    return out.reshape(rows)

# --- scband reference (transcript-rebuilt; emitter-appended) ---
"""Pipeline reference for scband-one-step-58042188038515 (READ-ONLY COPY).

The authoritative reference and input builder live on the scoring server;
editing this copy changes nothing except your own understanding.
"""

import jax, jax.numpy as jnp
import numpy as np

TEMPERATURE = 2.2


def setup_inputs(seed: int = 0) -> dict:
    key = jax.random.key(seed)
    # predicted_logits[:, -1, :] from the wrapped LM, abstracted as a dense
    # logits tensor over the voice-2 vocabulary.
    logits = jax.random.normal(key, (32, 1000000), dtype=jnp.float32)
    return {"logits": logits}


def reference(logits):
    # predicted_logits = predicted_logits / self.temperature
    scaled = logits / TEMPERATURE
    # predicted_ids = tf.random.categorical(predicted_logits, num_samples=1)
    # jax.random.categorical implements the same Gumbel-max categorical draw.
    sample_key = jax.random.key(42)
    predicted_ids = jax.random.categorical(sample_key, scaled, axis=-1)
    return predicted_ids

if __name__ == "__main__":
    import jax
    _d = setup_inputs()
    print(jax.jit(kernel)(*tuple(_d.values())))

</pallas_src>

<mosaic_0001>
#map = affine_map<(d0, d1) -> (0)>
module attributes {stable_mosaic.version = 14 : i64} {
  func.func @_sc_bits_body(%arg0: i32, %arg1: i32, %arg2: memref<5785600xi32, #tpu.memory_space<hbm>>, %arg3: memref<8192xi32, #tpu.memory_space<vmem>>) attributes {dimension_semantics = [#tpu.dimension_semantics<core_parallel>, #tpu.dimension_semantics<subcore_parallel>], iteration_bounds = array<i64: 2, 16>, scalar_prefetch = 0 : i64, scratch_operands = 1 : i64, tpu.core_type = #tpu.core_type<sc_vector_subcore>, window_params = [{transform_indices = #map}]} {
    %mul3A = arith.constant 2 : i32
    %mul3A_0 = arith.muli %arg1, %mul3A : i32
    %add3A = arith.addi %mul3A_0, %arg0 : i32
    %iota3A = tpu.iota {dimensions = array<i32: 0>} : vector<16xi32>
    %mul3A_1 = arith.constant 1000000 : i32
    %mul3A_2 = arith.muli %add3A, %mul3A_1 : i32
    %add3A_3 = arith.constant 819200 : i32
    %add3A_4 = arith.addi %mul3A_2, %add3A_3 : i32
    %add3A_5 = arith.constant 42 : i32
    %add3A_6 = arith.addi %add3A_4, %add3A_5 : i32
    %scan3A = arith.constant 0 : i32
    %scan3A_7 = arith.constant 0 : i32
    %scan3A_8 = arith.constant 22 : i32
    %scan3A_9 = arith.addi %scan3A_7, %scan3A_8 : i32
    %scan3A_10 = arith.constant 1 : i32
    %scan3A_11 = scf.for %scan3A_24 = %scan3A_7 to %scan3A_9 step %scan3A_10 iter_args(%scan3A_25 = %scan3A) -> (i32)  : i32 {
      %mul3A_26 = arith.constant 8192 : i32
      %mul3A_27 = arith.muli %scan3A_24, %mul3A_26 : i32
      %scan3A_28 = arith.constant 0 : i32
      %scan3A_29 = arith.constant 0 : i32
      %scan3A_30 = arith.constant 512 : i32
      %scan3A_31 = arith.addi %scan3A_29, %scan3A_30 : i32
      %scan3A_32 = arith.constant 1 : i32
      %scan3A_33 = scf.for %scan3A_39 = %scan3A_29 to %scan3A_31 step %scan3A_32 iter_args(%scan3A_40 = %scan3A_28) -> (i32)  : i32 {
        %add3A_41 = arith.addi %add3A_6, %mul3A_27 : i32
        %mul3A_42 = arith.constant 16 : i32
        %mul3A_43 = arith.muli %scan3A_39, %mul3A_42 : i32
        %add3A_44 = arith.addi %add3A_41, %mul3A_43 : i32
        %add3A_45 = vector.broadcast %add3A_44 : i32 to vector<16xi32>
        %add3A_46 = arith.addi %iota3A, %add3A_45 : vector<16xi32>
        %shift_left3A = arith.constant 13 : i32
        %shift_left3A_47 = vector.broadcast %shift_left3A : i32 to vector<16xi32>
        %shift_left3A_48 = arith.shli %add3A_46, %shift_left3A_47 : vector<16xi32>
        %shift_right_logical3A = arith.constant 19 : i32
        %shift_right_logical3A_49 = vector.broadcast %shift_right_logical3A : i32 to vector<16xi32>
        %shift_right_logical3A_50 = arith.shrui %add3A_46, %shift_right_logical3A_49 : vector<16xi32>
        %or3A = arith.ori %shift_left3A_48, %shift_right_logical3A_50 : vector<16xi32>
        %xor3A = arith.xori %or3A, %add3A_46 : vector<16xi32>
        %add3A_51 = arith.addi %add3A_46, %xor3A : vector<16xi32>
        %shift_left3A_52 = arith.constant 15 : i32
        %shift_left3A_53 = vector.broadcast %shift_left3A_52 : i32 to vector<16xi32>
        %shift_left3A_54 = arith.shli %xor3A, %shift_left3A_53 : vector<16xi32>
        %shift_right_logical3A_55 = arith.constant 17 : i32
        %shift_right_logical3A_56 = vector.broadcast %shift_right_logical3A_55 : i32 to vector<16xi32>
        %shift_right_logical3A_57 = arith.shrui %xor3A, %shift_right_logical3A_56 : vector<16xi32>
        %or3A_58 = arith.ori %shift_left3A_54, %shift_right_logical3A_57 : vector<16xi32>
        %xor3A_59 = arith.xori %or3A_58, %add3A_51 : vector<16xi32>
        %add3A_60 = arith.addi %add3A_51, %xor3A_59 : vector<16xi32>
        %shift_left3A_61 = arith.constant 26 : i32
        %shift_left3A_62 = vector.broadcast %shift_left3A_61 : i32 to vector<16xi32>
        %shift_left3A_63 = arith.shli %xor3A_59, %shift_left3A_62 : vector<16xi32>
        %shift_right_logical3A_64 = arith.constant 6 : i32
        %shift_right_logical3A_65 = vector.broadcast %shift_right_logical3A_64 : i32 to vector<16xi32>
        %shift_right_logical3A_66 = arith.shrui %xor3A_59, %shift_right_logical3A_65 : vector<16xi32>
        %or3A_67 = arith.ori %shift_left3A_63, %shift_right_logical3A_66 : vector<16xi32>
        %xor3A_68 = arith.xori %or3A_67, %add3A_60 : vector<16xi32>
        %add3A_69 = arith.addi %add3A_60, %xor3A_68 : vector<16xi32>
        %shift_left3A_70 = arith.constant 6 : i32
        %shift_left3A_71 = vector.broadcast %shift_left3A_70 : i32 to vector<16xi32>
        %shift_left3A_72 = arith.shli %xor3A_68, %shift_left3A_71 : vector<16xi32>
        %shift_right_logical3A_73 = arith.constant 26 : i32
        %shift_right_logical3A_74 = vector.broadcast %shift_right_logical3A_73 : i32 to vector<16xi32>
        %shift_right_logical3A_75 = arith.shrui %xor3A_68, %shift_right_logical3A_74 : vector<16xi32>
        %or3A_76 = arith.ori %shift_left3A_72, %shift_right_logical3A_75 : vector<16xi32>
        %xor3A_77 = arith.xori %or3A_76, %add3A_69 : vector<16xi32>
        %add3A_78 = arith.constant 42 : i32
        %add3A_79 = vector.broadcast %add3A_78 : i32 to vector<16xi32>
        %add3A_80 = arith.addi %add3A_69, %add3A_79 : vector<16xi32>
        %add3A_81 = arith.constant 466689009 : i32
        %add3A_82 = vector.broadcast %add3A_81 : i32 to vector<16xi32>
        %add3A_83 = arith.addi %xor3A_77, %add3A_82 : vector<16xi32>
        %add3A_84 = arith.addi %add3A_80, %add3A_83 : vector<16xi32>
        %shift_left3A_85 = arith.constant 17 : i32
        %shift_left3A_86 = vector.broadcast %shift_left3A_85 : i32 to vector<16xi32>
        %shift_left3A_87 = arith.shli %add3A_83, %shift_left3A_86 : vector<16xi32>
        %shift_right_logical3A_88 = arith.constant 15 : i32
        %shift_right_logical3A_89 = vector.broadcast %shift_right_logical3A_88 : i32 to vector<16xi32>
        %shift_right_logical3A_90 = arith.shrui %add3A_83, %shift_right_logical3A_89 : vector<16xi32>
        %or3A_91 = arith.ori %shift_left3A_87, %shift_right_logical3A_90 : vector<16xi32>
        %xor3A_92 = arith.xori %or3A_91, %add3A_84 : vector<16xi32>
        %add3A_93 = arith.addi %add3A_84, %xor3A_92 : vector<16xi32>
        %shift_left3A_94 = arith.constant 29 : i32
        %shift_left3A_95 = vector.broadcast %shift_left3A_94 : i32 to vector<16xi32>
        %shift_left3A_96 = arith.shli %xor3A_92, %shift_left3A_95 : vector<16xi32>
        %shift_right_logical3A_97 = arith.constant 3 : i32
        %shift_right_logical3A_98 = vector.broadcast %shift_right_logical3A_97 : i32 to vector<16xi32>
        %shift_right_logical3A_99 = arith.shrui %xor3A_92, %shift_right_logical3A_98 : vector<16xi32>
        %or3A_100 = arith.ori %shift_left3A_96, %shift_right_logical3A_99 : vector<16xi32>
        %xor3A_101 = arith.xori %or3A_100, %add3A_93 : vector<16xi32>
        %add3A_102 = arith.addi %add3A_93, %xor3A_101 : vector<16xi32>
        %shift_left3A_103 = arith.constant 16 : i32
        %shift_left3A_104 = vector.broadcast %shift_left3A_103 : i32 to vector<16xi32>
        %shift_left3A_105 = arith.shli %xor3A_101, %shift_left3A_104 : vector<16xi32>
        %shift_right_logical3A_106 = arith.constant 16 : i32
        %shift_right_logical3A_107 = vector.broadcast %shift_right_logical3A_106 : i32 to vector<16xi32>
        %shift_right_logical3A_108 = arith.shrui %xor3A_101, %shift_right_logical3A_107 : vector<16xi32>
        %or3A_109 = arith.ori %shift_left3A_105, %shift_right_logical3A_108 : vector<16xi32>
        %xor3A_110 = arith.xori %or3A_109, %add3A_102 : vector<16xi32>
        %add3A_111 = arith.addi %add3A_102, %xor3A_110 : vector<16xi32>
        %shift_left3A_112 = arith.constant 24 : i32
        %shift_left3A_113 = vector.broadcast %shift_left3A_112 : i32 to vector<16xi32>
        %shift_left3A_114 = arith.shli %xor3A_110, %shift_left3A_113 : vector<16xi32>
        %shift_right_logical3A_115 = arith.constant 8 : i32
        %shift_right_logical3A_116 = vector.broadcast %shift_right_logical3A_115 : i32 to vector<16xi32>
        %shift_right_logical3A_117 = arith.shrui %xor3A_110, %shift_right_logical3A_116 : vector<16xi32>
        %or3A_118 = arith.ori %shift_left3A_114, %shift_right_logical3A_117 : vector<16xi32>
        %xor3A_119 = arith.xori %or3A_118, %add3A_111 : vector<16xi32>
        %add3A_120 = arith.constant 466689008 : i32
        %add3A_121 = vector.broadcast %add3A_120 : i32 to vector<16xi32>
        %add3A_122 = arith.addi %add3A_111, %add3A_121 : vector<16xi32>
        %add3A_123 = arith.constant 2 : i32
        %add3A_124 = vector.broadcast %add3A_123 : i32 to vector<16xi32>
        %add3A_125 = arith.addi %xor3A_119, %add3A_124 : vector<16xi32>
        %add3A_126 = arith.addi %add3A_122, %add3A_125 : vector<16xi32>
        %shift_left3A_127 = arith.constant 13 : i32
        %shift_left3A_128 = vector.broadcast %shift_left3A_127 : i32 to vector<16xi32>
        %shift_left3A_129 = arith.shli %add3A_125, %shift_left3A_128 : vector<16xi32>
        %shift_right_logical3A_130 = arith.constant 19 : i32
        %shift_right_logical3A_131 = vector.broadcast %shift_right_logical3A_130 : i32 to vector<16xi32>
        %shift_right_logical3A_132 = arith.shrui %add3A_125, %shift_right_logical3A_131 : vector<16xi32>
        %or3A_133 = arith.ori %shift_left3A_129, %shift_right_logical3A_132 : vector<16xi32>
        %xor3A_134 = arith.xori %or3A_133, %add3A_126 : vector<16xi32>
        %add3A_135 = arith.addi %add3A_126, %xor3A_134 : vector<16xi32>
        %shift_left3A_136 = arith.constant 15 : i32
        %shift_left3A_137 = vector.broadcast %shift_left3A_136 : i32 to vector<16xi32>
        %shift_left3A_138 = arith.shli %xor3A_134, %shift_left3A_137 : vector<16xi32>
        %shift_right_logical3A_139 = arith.constant 17 : i32
        %shift_right_logical3A_140 = vector.broadcast %shift_right_logical3A_139 : i32 to vector<16xi32>
        %shift_right_logical3A_141 = arith.shrui %xor3A_134, %shift_right_logical3A_140 : vector<16xi32>
        %or3A_142 = arith.ori %shift_left3A_138, %shift_right_logical3A_141 : vector<16xi32>
        %xor3A_143 = arith.xori %or3A_142, %add3A_135 : vector<16xi32>
        %add3A_144 = arith.addi %add3A_135, %xor3A_143 : vector<16xi32>
        %shift_left3A_145 = arith.constant 26 : i32
        %shift_left3A_146 = vector.broadcast %shift_left3A_145 : i32 to vector<16xi32>
        %shift_left3A_147 = arith.shli %xor3A_143, %shift_left3A_146 : vector<16xi32>
        %shift_right_logical3A_148 = arith.constant 6 : i32
        %shift_right_logical3A_149 = vector.broadcast %shift_right_logical3A_148 : i32 to vector<16xi32>
        %shift_right_logical3A_150 = arith.shrui %xor3A_143, %shift_right_logical3A_149 : vector<16xi32>
        %or3A_151 = arith.ori %shift_left3A_147, %shift_right_logical3A_150 : vector<16xi32>
        %xor3A_152 = arith.xori %or3A_151, %add3A_144 : vector<16xi32>
        %add3A_153 = arith.addi %add3A_144, %xor3A_152 : vector<16xi32>
        %shift_left3A_154 = arith.constant 6 : i32
        %shift_left3A_155 = vector.broadcast %shift_left3A_154 : i32 to vector<16xi32>
        %shift_left3A_156 = arith.shli %xor3A_152, %shift_left3A_155 : vector<16xi32>
        %shift_right_logical3A_157 = arith.constant 26 : i32
        %shift_right_logical3A_158 = vector.broadcast %shift_right_logical3A_157 : i32 to vector<16xi32>
        %shift_right_logical3A_159 = arith.shrui %xor3A_152, %shift_right_logical3A_158 : vector<16xi32>
        %or3A_160 = arith.ori %shift_left3A_156, %shift_right_logical3A_159 : vector<16xi32>
        %xor3A_161 = arith.xori %or3A_160, %add3A_153 : vector<16xi32>
        %add3A_162 = arith.constant 0 : i32
        %add3A_163 = vector.broadcast %add3A_162 : i32 to vector<16xi32>
        %add3A_164 = arith.addi %add3A_153, %add3A_163 : vector<16xi32>
        %add3A_165 = arith.constant 45 : i32
        %add3A_166 = vector.broadcast %add3A_165 : i32 to vector<16xi32>
        %add3A_167 = arith.addi %xor3A_161, %add3A_166 : vector<16xi32>
        %add3A_168 = arith.addi %add3A_164, %add3A_167 : vector<16xi32>
        %shift_left3A_169 = arith.constant 17 : i32
        %shift_left3A_170 = vector.broadcast %shift_left3A_169 : i32 to vector<16xi32>
        %shift_left3A_171 = arith.shli %add3A_167, %shift_left3A_170 : vector<16xi32>
        %shift_right_logical3A_172 = arith.constant 15 : i32
        %shift_right_logical3A_173 = vector.broadcast %shift_right_logical3A_172 : i32 to vector<16xi32>
        %shift_right_logical3A_174 = arith.shrui %add3A_167, %shift_right_logical3A_173 : vector<16xi32>
        %or3A_175 = arith.ori %shift_left3A_171, %shift_right_logical3A_174 : vector<16xi32>
        %xor3A_176 = arith.xori %or3A_175, %add3A_168 : vector<16xi32>
        %add3A_177 = arith.addi %add3A_168, %xor3A_176 : vector<16xi32>
        %shift_left3A_178 = arith.constant 29 : i32
        %shift_left3A_179 = vector.broadcast %shift_left3A_178 : i32 to vector<16xi32>
        %shift_left3A_180 = arith.shli %xor3A_176, %shift_left3A_179 : vector<16xi32>
        %shift_right_logical3A_181 = arith.constant 3 : i32
        %shift_right_logical3A_182 = vector.broadcast %shift_right_logical3A_181 : i32 to vector<16xi32>
        %shift_right_logical3A_183 = arith.shrui %xor3A_176, %shift_right_logical3A_182 : vector<16xi32>
        %or3A_184 = arith.ori %shift_left3A_180, %shift_right_logical3A_183 : vector<16xi32>
        %xor3A_185 = arith.xori %or3A_184, %add3A_177 : vector<16xi32>
        %add3A_186 = arith.addi %add3A_177, %xor3A_185 : vector<16xi32>
        %shift_left3A_187 = arith.constant 16 : i32
        %shift_left3A_188 = vector.broadcast %shift_left3A_187 : i32 to vector<16xi32>
        %shift_left3A_189 = arith.shli %xor3A_185, %shift_left3A_188 : vector<16xi32>
        %shift_right_logical3A_190 = arith.constant 16 : i32
        %shift_right_logical3A_191 = vector.broadcast %shift_right_logical3A_190 : i32 to vector<16xi32>
        %shift_right_logical3A_192 = arith.shrui %xor3A_185, %shift_right_logical3A_191 : vector<16xi32>
        %or3A_193 = arith.ori %shift_left3A_189, %shift_right_logical3A_192 : vector<16xi32>
        %xor3A_194 = arith.xori %or3A_193, %add3A_186 : vector<16xi32>
        %add3A_195 = arith.addi %add3A_186, %xor3A_194 : vector<16xi32>
        %shift_left3A_196 = arith.constant 24 : i32
        %shift_left3A_197 = vector.broadcast %shift_left3A_196 : i32 to vector<16xi32>
        %shift_left3A_198 = arith.shli %xor3A_194, %shift_left3A_197 : vector<16xi32>
        %shift_right_logical3A_199 = arith.constant 8 : i32
        %shift_right_logical3A_200 = vector.broadcast %shift_right_logical3A_199 : i32 to vector<16xi32>
        %shift_right_logical3A_201 = arith.shrui %xor3A_194, %shift_right_logical3A_200 : vector<16xi32>
        %or3A_202 = arith.ori %shift_left3A_198, %shift_right_logical3A_201 : vector<16xi32>
        %xor3A_203 = arith.xori %or3A_202, %add3A_195 : vector<16xi32>
        %add3A_204 = arith.constant 42 : i32
        %add3A_205 = vector.broadcast %add3A_204 : i32 to vector<16xi32>
        %add3A_206 = arith.addi %add3A_195, %add3A_205 : vector<16xi32>
        %add3A_207 = arith.constant 466689012 : i32
        %add3A_208 = vector.broadcast %add3A_207 : i32 to vector<16xi32>
        %add3A_209 = arith.addi %xor3A_203, %add3A_208 : vector<16xi32>
        %add3A_210 = arith.addi %add3A_206, %add3A_209 : vector<16xi32>
        %shift_left3A_211 = arith.constant 13 : i32
        %shift_left3A_212 = vector.broadcast %shift_left3A_211 : i32 to vector<16xi32>
        %shift_left3A_213 = arith.shli %add3A_209, %shift_left3A_212 : vector<16xi32>
        %shift_right_logical3A_214 = arith.constant 19 : i32
        %shift_right_logical3A_215 = vector.broadcast %shift_right_logical3A_214 : i32 to vector<16xi32>
        %shift_right_logical3A_216 = arith.shrui %add3A_209, %shift_right_logical3A_215 : vector<16xi32>
        %or3A_217 = arith.ori %shift_left3A_213, %shift_right_logical3A_216 : vector<16xi32>
        %xor3A_218 = arith.xori %or3A_217, %add3A_210 : vector<16xi32>
        %add3A_219 = arith.addi %add3A_210, %xor3A_218 : vector<16xi32>
        %shift_left3A_220 = arith.constant 15 : i32
        %shift_left3A_221 = vector.broadcast %shift_left3A_220 : i32 to vector<16xi32>
        %shift_left3A_222 = arith.shli %xor3A_218, %shift_left3A_221 : vector<16xi32>
        %shift_right_logical3A_223 = arith.constant 17 : i32
        %shift_right_logical3A_224 = vector.broadcast %shift_right_logical3A_223 : i32 to vector<16xi32>
        %shift_right_logical3A_225 = arith.shrui %xor3A_218, %shift_right_logical3A_224 : vector<16xi32>
        %or3A_226 = arith.ori %shift_left3A_222, %shift_right_logical3A_225 : vector<16xi32>
        %xor3A_227 = arith.xori %or3A_226, %add3A_219 : vector<16xi32>
        %add3A_228 = arith.addi %add3A_219, %xor3A_227 : vector<16xi32>
        %shift_left3A_229 = arith.constant 26 : i32
        %shift_left3A_230 = vector.broadcast %shift_left3A_229 : i32 to vector<16xi32>
        %shift_left3A_231 = arith.shli %xor3A_227, %shift_left3A_230 : vector<16xi32>
        %shift_right_logical3A_232 = arith.constant 6 : i32
        %shift_right_logical3A_233 = vector.broadcast %shift_right_logical3A_232 : i32 to vector<16xi32>
        %shift_right_logical3A_234 = arith.shrui %xor3A_227, %shift_right_logical3A_233 : vector<16xi32>
        %or3A_235 = arith.ori %shift_left3A_231, %shift_right_logical3A_234 : vector<16xi32>
        %xor3A_236 = arith.xori %or3A_235, %add3A_228 : vector<16xi32>
        %add3A_237 = arith.addi %add3A_228, %xor3A_236 : vector<16xi32>
        %shift_left3A_238 = arith.constant 6 : i32
        %shift_left3A_239 = vector.broadcast %shift_left3A_238 : i32 to vector<16xi32>
        %shift_left3A_240 = arith.shli %xor3A_236, %shift_left3A_239 : vector<16xi32>
        %shift_right_logical3A_241 = arith.constant 26 : i32
        %shift_right_logical3A_242 = vector.broadcast %shift_right_logical3A_241 : i32 to vector<16xi32>
        %shift_right_logical3A_243 = arith.shrui %xor3A_236, %shift_right_logical3A_242 : vector<16xi32>
        %or3A_244 = arith.ori %shift_left3A_240, %shift_right_logical3A_243 : vector<16xi32>
        %xor3A_245 = arith.xori %or3A_244, %add3A_237 : vector<16xi32>
        %add3A_246 = arith.constant 466689008 : i32
        %add3A_247 = vector.broadcast %add3A_246 : i32 to vector<16xi32>
        %add3A_248 = arith.addi %add3A_237, %add3A_247 : vector<16xi32>
        %add3A_249 = arith.constant 5 : i32
        %add3A_250 = vector.broadcast %add3A_249 : i32 to vector<16xi32>
        %add3A_251 = arith.addi %xor3A_245, %add3A_250 : vector<16xi32>
        %xor3A_252 = arith.xori %add3A_248, %add3A_251 : vector<16xi32>
        %mul3A_253 = arith.constant 16 : i32
        %mul3A_254 = arith.muli %scan3A_39, %mul3A_253 : i32
        %swap3A = arith.index_cast %mul3A_254 : i32 to index
        %swap3A_255 = tpu.vector_load %arg3[%swap3A] {strides = array<i32>} : memref<8192xi32, #tpu.memory_space<vmem>>, vector<16xi32>,
        %swap3A_256 = vector.shape_cast %swap3A_255 : vector<16xi32> to vector<16xi32>
        %swap3A_257 = vector.shape_cast %xor3A_252 : vector<16xi32> to vector<16xi32>
        tpu.vector_store %arg3[%swap3A], %swap3A_257 {strides = array<i32>} : memref<8192xi32, #tpu.memory_space<vmem>>, vector<16xi32>,
        %scan3A_258 = arith.constant 0 : i32
        scf.yield %scan3A_258 : i32
      }
      %scan3A_34 = arith.constant 512 : i32
      %mul3A_35 = arith.constant 180800 : i32
      %mul3A_36 = arith.muli %add3A, %mul3A_35 : i32
      %add3A_37 = arith.addi %mul3A_36, %mul3A_27 : i32
      "tpu.region"() ({
        %run_scoped3A = tpu.sem_alloc : memref<!tpu.dma_semaphore, #tpu.memory_space<semaphore_mem>>
        %dma_start3A = tpu.memref_slice %arg2[%add3A_37] : memref<5785600xi32, #tpu.memory_space<hbm>> -> memref<8192xi32, #tpu.memory_space<hbm>>
        %dma_start3A_39 = tpu.memref_slice %arg2[%add3A_37] : memref<5785600xi32, #tpu.memory_space<hbm>> -> memref<8192xi32, #tpu.memory_space<hbm>>
        tpu.enqueue_dma source(%arg3 : memref<8192xi32, #tpu.memory_space<vmem>>) target(%dma_start3A_39 : memref<8192xi32, #tpu.memory_space<hbm>>) target_semaphore(%run_scoped3A : memref<!tpu.dma_semaphore, #tpu.memory_space<semaphore_mem>>)
        %dma_wait3A = tpu.memref_slice %arg2[%add3A_37] : memref<5785600xi32, #tpu.memory_space<hbm>> -> memref<8192xi32, #tpu.memory_space<hbm>>
        %dma_wait3A_40 = tpu.memref_slice %arg2[%add3A_37] : memref<5785600xi32, #tpu.memory_space<hbm>> -> memref<8192xi32, #tpu.memory_space<hbm>>
        tpu.wait_dma2 semaphore(%run_scoped3A : memref<!tpu.dma_semaphore, #tpu.memory_space<semaphore_mem>>) src(%arg3 : memref<8192xi32, #tpu.memory_space<vmem>>) dst(%dma_wait3A_40 : memref<8192xi32, #tpu.memory_space<hbm>>)
        tpu.yield
      }) : () -> ()
      %scan3A_38 = arith.constant 0 : i32
      scf.yield %scan3A_38 : i32
    }
    %scan3A_12 = arith.constant 22 : i32
    %scan3A_13 = arith.constant 0 : i32
    %scan3A_14 = arith.constant 0 : i32
    %scan3A_15 = arith.constant 36 : i32
    %scan3A_16 = arith.addi %scan3A_14, %scan3A_15 : i32
    %scan3A_17 = arith.constant 1 : i32
    %scan3A_18 = scf.for %scan3A_24 = %scan3A_14 to %scan3A_16 step %scan3A_17 iter_args(%scan3A_25 = %scan3A_13) -> (i32)  : i32 {
      %add3A_26 = arith.constant 180224 : i32
      %add3A_27 = arith.addi %add3A_6, %add3A_26 : i32
      %mul3A_28 = arith.constant 16 : i32
      %mul3A_29 = arith.muli %scan3A_24, %mul3A_28 : i32
      %add3A_30 = arith.addi %add3A_27, %mul3A_29 : i32
      %add3A_31 = vector.broadcast %add3A_30 : i32 to vector<16xi32>
      %add3A_32 = arith.addi %iota3A, %add3A_31 : vector<16xi32>
      %shift_left3A = arith.constant 13 : i32
      %shift_left3A_33 = vector.broadcast %shift_left3A : i32 to vector<16xi32>
      %shift_left3A_34 = arith.shli %add3A_32, %shift_left3A_33 : vector<16xi32>
      %shift_right_logical3A = arith.constant 19 : i32
      %shift_right_logical3A_35 = vector.broadcast %shift_right_logical3A : i32 to vector<16xi32>
      %shift_right_logical3A_36 = arith.shrui %add3A_32, %shift_right_logical3A_35 : vector<16xi32>
      %or3A = arith.ori %shift_left3A_34, %shift_right_logical3A_36 : vector<16xi32>
      %xor3A = arith.xori %or3A, %add3A_32 : vector<16xi32>
      %add3A_37 = arith.addi %add3A_32, %xor3A : vector<16xi32>
      %shift_left3A_38 = arith.constant 15 : i32
      %shift_left3A_39 = vector.broadcast %shift_left3A_38 : i32 to vector<16xi32>
      %shift_left3A_40 = arith.shli %xor3A, %shift_left3A_39 : vector<16xi32>
      %shift_right_logical3A_41 = arith.constant 17 : i32
      %shift_right_logical3A_42 = vector.broadcast %shift_right_logical3A_41 : i32 to vector<16xi32>
      %shift_right_logical3A_43 = arith.shrui %xor3A, %shift_right_logical3A_42 : vector<16xi32>
      %or3A_44 = arith.ori %shift_left3A_40, %shift_right_logical3A_43 : vector<16xi32>
      %xor3A_45 = arith.xori %or3A_44, %add3A_37 : vector<16xi32>
      %add3A_46 = arith.addi %add3A_37, %xor3A_45 : vector<16xi32>
      %shift_left3A_47 = arith.constant 26 : i32
      %shift_left3A_48 = vector.broadcast %shift_left3A_47 : i32 to vector<16xi32>
      %shift_left3A_49 = arith.shli %xor3A_45, %shift_left3A_48 : vector<16xi32>
      %shift_right_logical3A_50 = arith.constant 6 : i32
      %shift_right_logical3A_51 = vector.broadcast %shift_right_logical3A_50 : i32 to vector<16xi32>
      %shift_right_logical3A_52 = arith.shrui %xor3A_45, %shift_right_logical3A_51 : vector<16xi32>
      %or3A_53 = arith.ori %shift_left3A_49, %shift_right_logical3A_52 : vector<16xi32>
      %xor3A_54 = arith.xori %or3A_53, %add3A_46 : vector<16xi32>
      %add3A_55 = arith.addi %add3A_46, %xor3A_54 : vector<16xi32>
      %shift_left3A_56 = arith.constant 6 : i32
      %shift_left3A_57 = vector.broadcast %shift_left3A_56 : i32 to vector<16xi32>
      %shift_left3A_58 = arith.shli %xor3A_54, %shift_left3A_57 : vector<16xi32>
      %shift_right_logical3A_59 = arith.constant 26 : i32
      %shift_right_logical3A_60 = vector.broadcast %shift_right_logical3A_59 : i32 to vector<16xi32>
      %shift_right_logical3A_61 = arith.shrui %xor3A_54, %shift_right_logical3A_60 : vector<16xi32>
      %or3A_62 = arith.ori %shift_left3A_58, %shift_right_logical3A_61 : vector<16xi32>
      %xor3A_63 = arith.xori %or3A_62, %add3A_55 : vector<16xi32>
      %add3A_64 = arith.constant 42 : i32
      %add3A_65 = vector.broadcast %add3A_64 : i32 to vector<16xi32>
      %add3A_66 = arith.addi %add3A_55, %add3A_65 : vector<16xi32>
      %add3A_67 = arith.constant 466689009 : i32
      %add3A_68 = vector.broadcast %add3A_67 : i32 to vector<16xi32>
      %add3A_69 = arith.addi %xor3A_63, %add3A_68 : vector<16xi32>
      %add3A_70 = arith.addi %add3A_66, %add3A_69 : vector<16xi32>
      %shift_left3A_71 = arith.constant 17 : i32
      %shift_left3A_72 = vector.broadcast %shift_left3A_71 : i32 to vector<16xi32>
      %shift_left3A_73 = arith.shli %add3A_69, %shift_left3A_72 : vector<16xi32>
      %shift_right_logical3A_74 = arith.constant 15 : i32
      %shift_right_logical3A_75 = vector.broadcast %shift_right_logical3A_74 : i32 to vector<16xi32>
      %shift_right_logical3A_76 = arith.shrui %add3A_69, %shift_right_logical3A_75 : vector<16xi32>
      %or3A_77 = arith.ori %shift_left3A_73, %shift_right_logical3A_76 : vector<16xi32>
      %xor3A_78 = arith.xori %or3A_77, %add3A_70 : vector<16xi32>
      %add3A_79 = arith.addi %add3A_70, %xor3A_78 : vector<16xi32>
      %shift_left3A_80 = arith.constant 29 : i32
      %shift_left3A_81 = vector.broadcast %shift_left3A_80 : i32 to vector<16xi32>
      %shift_left3A_82 = arith.shli %xor3A_78, %shift_left3A_81 : vector<16xi32>
      %shift_right_logical3A_83 = arith.constant 3 : i32
      %shift_right_logical3A_84 = vector.broadcast %shift_right_logical3A_83 : i32 to vector<16xi32>
      %shift_right_logical3A_85 = arith.shrui %xor3A_78, %shift_right_logical3A_84 : vector<16xi32>
      %or3A_86 = arith.ori %shift_left3A_82, %shift_right_logical3A_85 : vector<16xi32>
      %xor3A_87 = arith.xori %or3A_86, %add3A_79 : vector<16xi32>
      %add3A_88 = arith.addi %add3A_79, %xor3A_87 : vector<16xi32>
      %shift_left3A_89 = arith.constant 16 : i32
      %shift_left3A_90 = vector.broadcast %shift_left3A_89 : i32 to vector<16xi32>
      %shift_left3A_91 = arith.shli %xor3A_87, %shift_left3A_90 : vector<16xi32>
      %shift_right_logical3A_92 = arith.constant 16 : i32
      %shift_right_logical3A_93 = vector.broadcast %shift_right_logical3A_92 : i32 to vector<16xi32>
      %shift_right_logical3A_94 = arith.shrui %xor3A_87, %shift_right_logical3A_93 : vector<16xi32>
      %or3A_95 = arith.ori %shift_left3A_91, %shift_right_logical3A_94 : vector<16xi32>
      %xor3A_96 = arith.xori %or3A_95, %add3A_88 : vector<16xi32>
      %add3A_97 = arith.addi %add3A_88, %xor3A_96 : vector<16xi32>
      %shift_left3A_98 = arith.constant 24 : i32
      %shift_left3A_99 = vector.broadcast %shift_left3A_98 : i32 to vector<16xi32>
      %shift_left3A_100 = arith.shli %xor3A_96, %shift_left3A_99 : vector<16xi32>
      %shift_right_logical3A_101 = arith.constant 8 : i32
      %shift_right_logical3A_102 = vector.broadcast %shift_right_logical3A_101 : i32 to vector<16xi32>
      %shift_right_logical3A_103 = arith.shrui %xor3A_96, %shift_right_logical3A_102 : vector<16xi32>
      %or3A_104 = arith.ori %shift_left3A_100, %shift_right_logical3A_103 : vector<16xi32>
      %xor3A_105 = arith.xori %or3A_104, %add3A_97 : vector<16xi32>
      %add3A_106 = arith.constant 466689008 : i32
      %add3A_107 = vector.broadcast %add3A_106 : i32 to vector<16xi32>
      %add3A_108 = arith.addi %add3A_97, %add3A_107 : vector<16xi32>
      %add3A_109 = arith.constant 2 : i32
      %add3A_110 = vector.broadcast %add3A_109 : i32 to vector<16xi32>
      %add3A_111 = arith.addi %xor3A_105, %add3A_110 : vector<16xi32>
      %add3A_112 = arith.addi %add3A_108, %add3A_111 : vector<16xi32>
      %shift_left3A_113 = arith.constant 13 : i32
      %shift_left3A_114 = vector.broadcast %shift_left3A_113 : i32 to vector<16xi32>
      %shift_left3A_115 = arith.shli %add3A_111, %shift_left3A_114 : vector<16xi32>
      %shift_right_logical3A_116 = arith.constant 19 : i32
      %shift_right_logical3A_117 = vector.broadcast %shift_right_logical3A_116 : i32 to vector<16xi32>
      %shift_right_logical3A_118 = arith.shrui %add3A_111, %shift_right_logical3A_117 : vector<16xi32>
      %or3A_119 = arith.ori %shift_left3A_115, %shift_right_logical3A_118 : vector<16xi32>
      %xor3A_120 = arith.xori %or3A_119, %add3A_112 : vector<16xi32>
      %add3A_121 = arith.addi %add3A_112, %xor3A_120 : vector<16xi32>
      %shift_left3A_122 = arith.constant 15 : i32
      %shift_left3A_123 = vector.broadcast %shift_left3A_122 : i32 to vector<16xi32>
      %shift_left3A_124 = arith.shli %xor3A_120, %shift_left3A_123 : vector<16xi32>
      %shift_right_logical3A_125 = arith.constant 17 : i32
      %shift_right_logical3A_126 = vector.broadcast %shift_right_logical3A_125 : i32 to vector<16xi32>
      %shift_right_logical3A_127 = arith.shrui %xor3A_120, %shift_right_logical3A_126 : vector<16xi32>
      %or3A_128 = arith.ori %shift_left3A_124, %shift_right_logical3A_127 : vector<16xi32>
      %xor3A_129 = arith.xori %or3A_128, %add3A_121 : vector<16xi32>
      %add3A_130 = arith.addi %add3A_121, %xor3A_129 : vector<16xi32>
      %shift_left3A_131 = arith.constant 26 : i32
      %shift_left3A_132 = vector.broadcast %shift_left3A_131 : i32 to vector<16xi32>
      %shift_left3A_133 = arith.shli %xor3A_129, %shift_left3A_132 : vector<16xi32>
      %shift_right_logical3A_134 = arith.constant 6 : i32
      %shift_right_logical3A_135 = vector.broadcast %shift_right_logical3A_134 : i32 to vector<16xi32>
      %shift_right_logical3A_136 = arith.shrui %xor3A_129, %shift_right_logical3A_135 : vector<16xi32>
      %or3A_137 = arith.ori %shift_left3A_133, %shift_right_logical3A_136 : vector<16xi32>
      %xor3A_138 = arith.xori %or3A_137, %add3A_130 : vector<16xi32>
      %add3A_139 = arith.addi %add3A_130, %xor3A_138 : vector<16xi32>
      %shift_left3A_140 = arith.constant 6 : i32
      %shift_left3A_141 = vector.broadcast %shift_left3A_140 : i32 to vector<16xi32>
      %shift_left3A_142 = arith.shli %xor3A_138, %shift_left3A_141 : vector<16xi32>
      %shift_right_logical3A_143 = arith.constant 26 : i32
      %shift_right_logical3A_144 = vector.broadcast %shift_right_logical3A_143 : i32 to vector<16xi32>
      %shift_right_logical3A_145 = arith.shrui %xor3A_138, %shift_right_logical3A_144 : vector<16xi32>
      %or3A_146 = arith.ori %shift_left3A_142, %shift_right_logical3A_145 : vector<16xi32>
      %xor3A_147 = arith.xori %or3A_146, %add3A_139 : vector<16xi32>
      %add3A_148 = arith.constant 0 : i32
      %add3A_149 = vector.broadcast %add3A_148 : i32 to vector<16xi32>
      %add3A_150 = arith.addi %add3A_139, %add3A_149 : vector<16xi32>
      %add3A_151 = arith.constant 45 : i32
      %add3A_152 = vector.broadcast %add3A_151 : i32 to vector<16xi32>
      %add3A_153 = arith.addi %xor3A_147, %add3A_152 : vector<16xi32>
      %add3A_154 = arith.addi %add3A_150, %add3A_153 : vector<16xi32>
      %shift_left3A_155 = arith.constant 17 : i32
      %shift_left3A_156 = vector.broadcast %shift_left3A_155 : i32 to vector<16xi32>
      %shift_left3A_157 = arith.shli %add3A_153, %shift_left3A_156 : vector<16xi32>
      %shift_right_logical3A_158 = arith.constant 15 : i32
      %shift_right_logical3A_159 = vector.broadcast %shift_right_logical3A_158 : i32 to vector<16xi32>
      %shift_right_logical3A_160 = arith.shrui %add3A_153, %shift_right_logical3A_159 : vector<16xi32>
      %or3A_161 = arith.ori %shift_left3A_157, %shift_right_logical3A_160 : vector<16xi32>
      %xor3A_162 = arith.xori %or3A_161, %add3A_154 : vector<16xi32>
      %add3A_163 = arith.addi %add3A_154, %xor3A_162 : vector<16xi32>
      %shift_left3A_164 = arith.constant 29 : i32
      %shift_left3A_165 = vector.broadcast %shift_left3A_164 : i32 to vector<16xi32>
      %shift_left3A_166 = arith.shli %xor3A_162, %shift_left3A_165 : vector<16xi32>
      %shift_right_logical3A_167 = arith.constant 3 : i32
      %shift_right_logical3A_168 = vector.broadcast %shift_right_logical3A_167 : i32 to vector<16xi32>
      %shift_right_logical3A_169 = arith.shrui %xor3A_162, %shift_right_logical3A_168 : vector<16xi32>
      %or3A_170 = arith.ori %shift_left3A_166, %shift_right_logical3A_169 : vector<16xi32>
      %xor3A_171 = arith.xori %or3A_170, %add3A_163 : vector<16xi32>
      %add3A_172 = arith.addi %add3A_163, %xor3A_171 : vector<16xi32>
      %shift_left3A_173 = arith.constant 16 : i32
      %shift_left3A_174 = vector.broadcast %shift_left3A_173 : i32 to vector<16xi32>
      %shift_left3A_175 = arith.shli %xor3A_171, %shift_left3A_174 : vector<16xi32>
      %shift_right_logical3A_176 = arith.constant 16 : i32
      %shift_right_logical3A_177 = vector.broadcast %shift_right_logical3A_176 : i32 to vector<16xi32>
      %shift_right_logical3A_178 = arith.shrui %xor3A_171, %shift_right_logical3A_177 : vector<16xi32>
      %or3A_179 = arith.ori %shift_left3A_175, %shift_right_logical3A_178 : vector<16xi32>
      %xor3A_180 = arith.xori %or3A_179, %add3A_172 : vector<16xi32>
      %add3A_181 = arith.addi %add3A_172, %xor3A_180 : vector<16xi32>
      %shift_left3A_182 = arith.constant 24 : i32
      %shift_left3A_183 = vector.broadcast %shift_left3A_182 : i32 to vector<16xi32>
      %shift_left3A_184 = arith.shli %xor3A_180, %shift_left3A_183 : vector<16xi32>
      %shift_right_logical3A_185 = arith.constant 8 : i32
      %shift_right_logical3A_186 = vector.broadcast %shift_right_logical3A_185 : i32 to vector<16xi32>
      %shift_right_logical3A_187 = arith.shrui %xor3A_180, %shift_right_logical3A_186 : vector<16xi32>
      %or3A_188 = arith.ori %shift_left3A_184, %shift_right_logical3A_187 : vector<16xi32>
      %xor3A_189 = arith.xori %or3A_188, %add3A_181 : vector<16xi32>
      %add3A_190 = arith.constant 42 : i32
      %add3A_191 = vector.broadcast %add3A_190 : i32 to vector<16xi32>
      %add3A_192 = arith.addi %add3A_181, %add3A_191 : vector<16xi32>
      %add3A_193 = arith.constant 466689012 : i32
      %add3A_194 = vector.broadcast %add3A_193 : i32 to vector<16xi32>
      %add3A_195 = arith.addi %xor3A_189, %add3A_194 : vector<16xi32>
      %add3A_196 = arith.addi %add3A_192, %add3A_195 : vector<16xi32>
      %shift_left3A_197 = arith.constant 13 : i32
      %shift_left3A_198 = vector.broadcast %shift_left3A_197 : i32 to vector<16xi32>
      %shift_left3A_199 = arith.shli %add3A_195, %shift_left3A_198 : vector<16xi32>
      %shift_right_logical3A_200 = arith.constant 19 : i32
      %shift_right_logical3A_201 = vector.broadcast %shift_right_logical3A_200 : i32 to vector<16xi32>
      %shift_right_logical3A_202 = arith.shrui %add3A_195, %shift_right_logical3A_201 : vector<16xi32>
      %or3A_203 = arith.ori %shift_left3A_199, %shift_right_logical3A_202 : vector<16xi32>
      %xor3A_204 = arith.xori %or3A_203, %add3A_196 : vector<16xi32>
      %add3A_205 = arith.addi %add3A_196, %xor3A_204 : vector<16xi32>
      %shift_left3A_206 = arith.constant 15 : i32
      %shift_left3A_207 = vector.broadcast %shift_left3A_206 : i32 to vector<16xi32>
      %shift_left3A_208 = arith.shli %xor3A_204, %shift_left3A_207 : vector<16xi32>
      %shift_right_logical3A_209 = arith.constant 17 : i32
      %shift_right_logical3A_210 = vector.broadcast %shift_right_logical3A_209 : i32 to vector<16xi32>
      %shift_right_logical3A_211 = arith.shrui %xor3A_204, %shift_right_logical3A_210 : vector<16xi32>
      %or3A_212 = arith.ori %shift_left3A_208, %shift_right_logical3A_211 : vector<16xi32>
      %xor3A_213 = arith.xori %or3A_212, %add3A_205 : vector<16xi32>
      %add3A_214 = arith.addi %add3A_205, %xor3A_213 : vector<16xi32>
      %shift_left3A_215 = arith.constant 26 : i32
      %shift_left3A_216 = vector.broadcast %shift_left3A_215 : i32 to vector<16xi32>
      %shift_left3A_217 = arith.shli %xor3A_213, %shift_left3A_216 : vector<16xi32>
      %shift_right_logical3A_218 = arith.constant 6 : i32
      %shift_right_logical3A_219 = vector.broadcast %shift_right_logical3A_218 : i32 to vector<16xi32>
      %shift_right_logical3A_220 = arith.shrui %xor3A_213, %shift_right_logical3A_219 : vector<16xi32>
      %or3A_221 = arith.ori %shift_left3A_217, %shift_right_logical3A_220 : vector<16xi32>
      %xor3A_222 = arith.xori %or3A_221, %add3A_214 : vector<16xi32>
      %add3A_223 = arith.addi %add3A_214, %xor3A_222 : vector<16xi32>
      %shift_left3A_224 = arith.constant 6 : i32
      %shift_left3A_225 = vector.broadcast %shift_left3A_224 : i32 to vector<16xi32>
      %shift_left3A_226 = arith.shli %xor3A_222, %shift_left3A_225 : vector<16xi32>
      %shift_right_logical3A_227 = arith.constant 26 : i32
      %shift_right_logical3A_228 = vector.broadcast %shift_right_logical3A_227 : i32 to vector<16xi32>
      %shift_right_logical3A_229 = arith.shrui %xor3A_222, %shift_right_logical3A_228 : vector<16xi32>
      %or3A_230 = arith.ori %shift_left3A_226, %shift_right_logical3A_229 : vector<16xi32>
      %xor3A_231 = arith.xori %or3A_230, %add3A_223 : vector<16xi32>
      %add3A_232 = arith.constant 466689008 : i32
      %add3A_233 = vector.broadcast %add3A_232 : i32 to vector<16xi32>
      %add3A_234 = arith.addi %add3A_223, %add3A_233 : vector<16xi32>
      %add3A_235 = arith.constant 5 : i32
      %add3A_236 = vector.broadcast %add3A_235 : i32 to vector<16xi32>
      %add3A_237 = arith.addi %xor3A_231, %add3A_236 : vector<16xi32>
      %xor3A_238 = arith.xori %add3A_234, %add3A_237 : vector<16xi32>
      %mul3A_239 = arith.constant 16 : i32
      %mul3A_240 = arith.muli %scan3A_24, %mul3A_239 : i32
      %swap3A = arith.index_cast %mul3A_240 : i32 to index
      %swap3A_241 = tpu.vector_load %arg3[%swap3A] {strides = array<i32>} : memref<8192xi32, #tpu.memory_space<vmem>>, vector<16xi32>,
      %swap3A_242 = vector.shape_cast %swap3A_241 : vector<16xi32> to vector<16xi32>
      %swap3A_243 = vector.shape_cast %xor3A_238 : vector<16xi32> to vector<16xi32>
      tpu.vector_store %arg3[%swap3A], %swap3A_243 {strides = array<i32>} : memref<8192xi32, #tpu.memory_space<vmem>>, vector<16xi32>,
      %scan3A_244 = arith.constant 0 : i32
      scf.yield %scan3A_244 : i32
    }
    %scan3A_19 = arith.constant 36 : i32
    %mul3A_20 = arith.constant 180800 : i32
    %mul3A_21 = arith.muli %add3A, %mul3A_20 : i32
    %add3A_22 = arith.constant 180224 : i32
    %add3A_23 = arith.addi %mul3A_21, %add3A_22 : i32
    "tpu.region"() ({
      %run_scoped3A = tpu.sem_alloc : memref<!tpu.dma_semaphore, #tpu.memory_space<semaphore_mem>>
      %dma_start3A = arith.constant 0 : i32
      %dma_start3A_24 = tpu.memref_slice %arg3[%dma_start3A] : memref<8192xi32, #tpu.memory_space<vmem>> -> memref<576xi32, #tpu.memory_space<vmem>>
      %dma_start3A_25 = tpu.memref_slice %arg2[%add3A_23] : memref<5785600xi32, #tpu.memory_space<hbm>> -> memref<576xi32, #tpu.memory_space<hbm>>
      %dma_start3A_26 = tpu.memref_slice %arg2[%add3A_23] : memref<5785600xi32, #tpu.memory_space<hbm>> -> memref<576xi32, #tpu.memory_space<hbm>>
      %dma_start3A_27 = arith.constant 0 : i32
      %dma_start3A_28 = tpu.memref_slice %arg3[%dma_start3A_27] : memref<8192xi32, #tpu.memory_space<vmem>> -> memref<576xi32, #tpu.memory_space<vmem>>
      tpu.enqueue_dma source(%dma_start3A_28 : memref<576xi32, #tpu.memory_space<vmem>>) target(%dma_start3A_26 : memref<576xi32, #tpu.memory_space<hbm>>) target_semaphore(%run_scoped3A : memref<!tpu.dma_semaphore, #tpu.memory_space<semaphore_mem>>)
      %dma_wait3A = arith.constant 0 : i32
      %dma_wait3A_29 = tpu.memref_slice %arg3[%dma_wait3A] : memref<8192xi32, #tpu.memory_space<vmem>> -> memref<576xi32, #tpu.memory_space<vmem>>
      %dma_wait3A_30 = tpu.memref_slice %arg2[%add3A_23] : memref<5785600xi32, #tpu.memory_space<hbm>> -> memref<576xi32, #tpu.memory_space<hbm>>
      %dma_wait3A_31 = tpu.memref_slice %arg2[%add3A_23] : memref<5785600xi32, #tpu.memory_space<hbm>> -> memref<576xi32, #tpu.memory_space<hbm>>
      %dma_wait3A_32 = arith.constant 0 : i32
      %dma_wait3A_33 = tpu.memref_slice %arg3[%dma_wait3A_32] : memref<8192xi32, #tpu.memory_space<vmem>> -> memref<576xi32, #tpu.memory_space<vmem>>
      tpu.wait_dma2 semaphore(%run_scoped3A : memref<!tpu.dma_semaphore, #tpu.memory_space<semaphore_mem>>) src(%dma_wait3A_33 : memref<576xi32, #tpu.memory_space<vmem>>) dst(%dma_wait3A_31 : memref<576xi32, #tpu.memory_space<hbm>>)
      tpu.yield
    }) : () -> ()
    return
  }
}

module attributes {stable_mosaic.version = 14 : i64} {
  func.func @_tail_body(%arg0: i32, %arg1: memref<32x16384xf32, #tpu.memory_space<vmem>>, %arg2: memref<32x16384xi32, #tpu.memory_space<vmem>>, %arg3: memref<32x1xf32, #tpu.memory_space<vmem>>, %arg4: memref<32x1xi32, #tpu.memory_space<vmem>>, %arg5: memref<32x1xi32, #tpu.memory_space<vmem>>, %arg6: memref<32x16384xf32, #tpu.memory_space<vmem>>, %arg7: memref<32x16384xi32, #tpu.memory_space<vmem>>) attributes {dimension_semantics = [#tpu.dimension_semantics<arbitrary>], iteration_bounds = array<i64: 12>, scalar_prefetch = 0 : i64, scratch_operands = 2 : i64, tpu.core_type = #tpu.core_type<tc>, window_params = [{transform_indices = @transform_0, window_bounds = array<i64: 32, 16384>}, {transform_indices = @transform_1, window_bounds = array<i64: 32, 16384>}, {pipeline_mode = #tpu.pipeline_mode<synchronous>, transform_indices = @transform_2, window_bounds = array<i64: 32, 1>}, {pipeline_mode = #tpu.pipeline_mode<synchronous>, transform_indices = @transform_3, window_bounds = array<i64: 32, 1>}, {pipeline_mode = #tpu.pipeline_mode<synchronous>, transform_indices = @transform_4, window_bounds = array<i64: 32, 1>}]} {
    %get3A = arith.constant 0 : index
    %get3A_0 = arith.constant 0 : index
    %get3A_1 = vector.load %arg1[%get3A, %get3A_0] : memref<32x16384xf32, #tpu.memory_space<vmem>>, vector<32x16384xf32>
    %iota3A = tpu.iota {dimensions = array<i32: 1>} : vector<32x16384xi32>
    %mul3A = arith.constant 16384 : i32
    %mul3A_2 = arith.muli %arg0, %mul3A : i32
    %add3A = arith.constant 819200 : i32
    %add3A_3 = arith.addi %add3A, %mul3A_2 : i32
    %add3A_4 = vector.broadcast %add3A_3 : i32 to vector<32x16384xi32>
    %add3A_5 = arith.addi %iota3A, %add3A_4 : vector<32x16384xi32>
    %get3A_6 = arith.constant 0 : index
    %get3A_7 = arith.constant 0 : index
    %get3A_8 = vector.load %arg2[%get3A_6, %get3A_7] : memref<32x16384xi32, #tpu.memory_space<vmem>>, vector<32x16384xi32>
    %shift_right_logical3A = arith.constant 9 : i32
    %shift_right_logical3A_9 = vector.broadcast %shift_right_logical3A : i32 to vector<32x16384xi32>
    %shift_right_logical3A_10 = arith.shrui %get3A_8, %shift_right_logical3A_9 : vector<32x16384xi32>
    %or3A = arith.constant 1065353216 : i32
    %or3A_11 = vector.broadcast %or3A : i32 to vector<32x16384xi32>
    %or3A_12 = arith.ori %shift_right_logical3A_10, %or3A_11 : vector<32x16384xi32>
    %bitcast_convert_type3A = tpu.bitcast %or3A_12 : vector<32x16384xi32> -> vector<32x16384xf32>
    %sub3A = arith.constant 1.000000e+00 : f32
    %sub3A_13 = vector.broadcast %sub3A : f32 to vector<32x16384xf32>
    %sub3A_14 = arith.subf %bitcast_convert_type3A, %sub3A_13 : vector<32x16384xf32>
    %add3A_15 = arith.constant 1.17549435E-38 : f32
    %add3A_16 = vector.broadcast %add3A_15 : f32 to vector<32x16384xf32>
    %add3A_17 = arith.addf %sub3A_14, %add3A_16 : vector<32x16384xf32>
    %max3A = arith.constant 1.17549435E-38 : f32
    %max3A_18 = vector.broadcast %max3A : f32 to vector<32x16384xf32>
    %max3A_19 = arith.maximumf %max3A_18, %add3A_17 : vector<32x16384xf32>
    %log3A = math.log %max3A_19 : vector<32x16384xf32>
    %neg3A = arith.constant 0.000000e+00 : f32
    %neg3A_20 = vector.broadcast %neg3A : f32 to vector<32x16384xf32>
    %neg3A_21 = arith.subf %neg3A_20, %log3A : vector<32x16384xf32>
    %log3A_22 = math.log %neg3A_21 : vector<32x16384xf32>
    %neg3A_23 = arith.constant 0.000000e+00 : f32
    %neg3A_24 = vector.broadcast %neg3A_23 : f32 to vector<32x16384xf32>
    %neg3A_25 = arith.subf %neg3A_24, %log3A_22 : vector<32x16384xf32>
    %div3A = arith.constant 2.200000e+00 : f32
    %div3A_26 = vector.broadcast %div3A : f32 to vector<32x16384xf32>
    %div3A_27 = arith.divf %get3A_1, %div3A_26 : vector<32x16384xf32>
    %add3A_28 = arith.addf %div3A_27, %neg3A_25 : vector<32x16384xf32>
    %eq3A = arith.constant 0 : i32
    %eq3A_29 = arith.cmpi eq, %arg0, %eq3A : i32
    %get3A_30 = arith.constant 0 : index
    %get3A_31 = arith.constant 0 : index
    %get3A_32 = vector.load %arg6[%get3A_30, %get3A_31] : memref<32x16384xf32, #tpu.memory_space<vmem>>, vector<32x16384xf32>
    %jit3A = arith.constant 0xFF800000 : f32
    %broadcast_in_dim3A = vector.broadcast %jit3A : f32 to vector<32x16384xf32>
    %select_n3A = arith.select %eq3A_29, %broadcast_in_dim3A, %get3A_32 : vector<32x16384xf32>
    %gt3A = arith.cmpf ogt, %add3A_28, %select_n3A : vector<32x16384xf32>
    %mul3A_33 = arith.constant 16384 : i32
    %mul3A_34 = arith.muli %arg0, %mul3A_33 : i32
    %sub3A_35 = arith.constant 180800 : i32
    %sub3A_36 = arith.subi %sub3A_35, %mul3A_34 : i32
    %lt3A = vector.broadcast %sub3A_36 : i32 to vector<32x16384xi32>
    %lt3A_37 = arith.cmpi slt, %iota3A, %lt3A : vector<32x16384xi32>
    %and3A = arith.andi %gt3A, %lt3A_37 : vector<32x16384xi1>
    %select_n3A_38 = arith.select %and3A, %add3A_28, %select_n3A : vector<32x16384xi1>, vector<32x16384xf32>
    %swap3A = arith.constant 0 : index
    %swap3A_39 = arith.constant 0 : index
    %swap3A_40 = vector.load %arg6[%swap3A, %swap3A_39] : memref<32x16384xf32, #tpu.memory_space<vmem>>, vector<32x16384xf32>
    tpu.vector_store %arg6[%swap3A, %swap3A_39], %select_n3A_38 {strides = array<i32>} : memref<32x16384xf32, #tpu.memory_space<vmem>>, vector<32x16384xf32>,
    %get3A_41 = arith.constant 0 : index
    %get3A_42 = arith.constant 0 : index
    %get3A_43 = vector.load %arg7[%get3A_41, %get3A_42] : memref<32x16384xi32, #tpu.memory_space<vmem>>, vector<32x16384xi32>
    %select_n3A_44 = arith.select %and3A, %add3A_5, %get3A_43 : vector<32x16384xi1>, vector<32x16384xi32>
    %swap3A_45 = arith.constant 0 : index
    %swap3A_46 = arith.constant 0 : index
    %swap3A_47 = vector.load %arg7[%swap3A_45, %swap3A_46] : memref<32x16384xi32, #tpu.memory_space<vmem>>, vector<32x16384xi32>
    tpu.vector_store %arg7[%swap3A_45, %swap3A_46], %select_n3A_44 {strides = array<i32>} : memref<32x16384xi32, #tpu.memory_space<vmem>>, vector<32x16384xi32>,
    %eq3A_48 = arith.constant 11 : i32
    %eq3A_49 = arith.cmpi eq, %arg0, %eq3A_48 : i32
    %convert_element_type3A = arith.extui %eq3A_49 : i1 to i32
    %cond3A = arith.constant 0 : i32
    %cond3A_50 = arith.cmpi ne, %convert_element_type3A, %cond3A : i32
    scf.if %cond3A_50 {
      %get3A_51 = arith.constant 0 : index
      %get3A_52 = arith.constant 0 : index
      %get3A_53 = vector.load %arg6[%get3A_51, %get3A_52] : memref<32x16384xf32, #tpu.memory_space<vmem>>, vector<32x16384xf32>
      %reduce_max3A = arith.constant dense<0xFF800000> : vector<32xf32>
      %reduce_max3A_54 = vector.multi_reduction <maximumf>, %get3A_53, %reduce_max3A [1] : vector<32x16384xf32> to vector<32xf32>
      %broadcast_in_dim3A_55 = vector.shape_cast %reduce_max3A_54 : vector<32xf32> to vector<32x1xf32>
      %eq3A_56 = vector.broadcast %broadcast_in_dim3A_55 : vector<32x1xf32> to vector<32x16384xf32>
      %eq3A_57 = arith.cmpf oeq, %get3A_53, %eq3A_56 : vector<32x16384xf32>
      %get3A_58 = arith.constant 0 : index
      %get3A_59 = arith.constant 0 : index
      %get3A_60 = vector.load %arg7[%get3A_58, %get3A_59] : memref<32x16384xi32, #tpu.memory_space<vmem>>, vector<32x16384xi32>
      %jit3A_61 = arith.constant 2147483647 : i32
      %broadcast_in_dim3A_62 = vector.broadcast %jit3A_61 : i32 to vector<32x16384xi32>
      %select_n3A_63 = arith.select %eq3A_57, %get3A_60, %broadcast_in_dim3A_62 : vector<32x16384xi1>, vector<32x16384xi32>
      %reduce_min3A = arith.constant dense<2147483647> : vector<32xi32>
      %reduce_min3A_64 = vector.multi_reduction <minsi>, %select_n3A_63, %reduce_min3A [1] : vector<32x16384xi32> to vector<32xi32>
      %broadcast_in_dim3A_65 = vector.shape_cast %reduce_min3A_64 : vector<32xi32> to vector<32x1xi32>
      %get3A_66 = arith.constant 0 : index
      %get3A_67 = arith.constant 0 : index
      %get3A_68 = vector.load %arg3[%get3A_66, %get3A_67] : memref<32x1xf32, #tpu.memory_space<vmem>>, vector<32x1xf32>
      %gt3A_69 = arith.cmpf ogt, %broadcast_in_dim3A_55, %get3A_68 : vector<32x1xf32>
      %get3A_70 = arith.constant 0 : index
      %get3A_71 = arith.constant 0 : index
      %get3A_72 = vector.load %arg4[%get3A_70, %get3A_71] : memref<32x1xi32, #tpu.memory_space<vmem>>, vector<32x1xi32>
      %select_n3A_73 = arith.select %gt3A_69, %broadcast_in_dim3A_65, %get3A_72 : vector<32x1xi1>, vector<32x1xi32>
      %swap3A_74 = arith.constant 0 : index
      %swap3A_75 = arith.constant 0 : index
      %swap3A_76 = vector.load %arg5[%swap3A_74, %swap3A_75] : memref<32x1xi32, #tpu.memory_space<vmem>>, vector<32x1xi32>
      tpu.vector_store %arg5[%swap3A_74, %swap3A_75], %select_n3A_73 {strides = array<i32>} : memref<32x1xi32, #tpu.memory_space<vmem>>, vector<32x1xi32>,
    } else {
    }
    return
  }
  func.func @transform_0(%arg0: i32) -> (i32, i32) {
    %add3A = arith.constant 50 : i32
    %add3A_0 = arith.addi %arg0, %add3A : i32
    %c0_i32 = arith.constant 0 : i32
    %c0_i32_1 = arith.constant 0 : i32
    return %c0_i32, %add3A_0 : i32, i32
  }
  func.func @transform_1(%arg0: i32) -> (i32, i32) {
    %c0_i32 = arith.constant 0 : i32
    %c0_i32_0 = arith.constant 0 : i32
    return %c0_i32, %arg0 : i32, i32
  }
  func.func @transform_2(%arg0: i32) -> (i32, i32) {
    %c0_i32 = arith.constant 0 : i32
    %c0_i32_0 = arith.constant 0 : i32
    %c0_i32_1 = arith.constant 0 : i32
    return %c0_i32, %c0_i32_0 : i32, i32
  }
  func.func @transform_3(%arg0: i32) -> (i32, i32) {
    %c0_i32 = arith.constant 0 : i32
    %c0_i32_0 = arith.constant 0 : i32
    %c0_i32_1 = arith.constant 0 : i32
    return %c0_i32, %c0_i32_0 : i32, i32
  }
  func.func @transform_4(%arg0: i32) -> (i32, i32) {
    %c0_i32 = arith.constant 0 : i32
    %c0_i32_0 = arith.constant 0 : i32
    %c0_i32_1 = arith.constant 0 : i32
    return %c0_i32, %c0_i32_0 : i32, i32
  }
}

module attributes {stable_mosaic.version = 14 : i64} {
  func.func @_head_body(%arg0: i32, %arg1: memref<32x32768xf32, #tpu.memory_space<vmem>>, %arg2: memref<32x1xf32, #tpu.memory_space<vmem>>, %arg3: memref<32x1xi32, #tpu.memory_space<vmem>>, %arg4: memref<32x32768xf32, #tpu.memory_space<vmem>>, %arg5: memref<32x32768xi32, #tpu.memory_space<vmem>>) attributes {dimension_semantics = [#tpu.dimension_semantics<arbitrary>], iteration_bounds = array<i64: 25>, scalar_prefetch = 0 : i64, scratch_operands = 2 : i64, tpu.core_type = #tpu.core_type<tc>, window_params = [{transform_indices = @transform_0, window_bounds = array<i64: 32, 32768>}, {pipeline_mode = #tpu.pipeline_mode<synchronous>, transform_indices = @transform_1, window_bounds = array<i64: 32, 1>}, {pipeline_mode = #tpu.pipeline_mode<synchronous>, transform_indices = @transform_2, window_bounds = array<i64: 32, 1>}]} {
    %get3A = arith.constant 0 : index
    %get3A_0 = arith.constant 0 : index
    %get3A_1 = vector.load %arg1[%get3A, %get3A_0] : memref<32x32768xf32, #tpu.memory_space<vmem>>, vector<32x32768xf32>
    %iota3A = tpu.iota {dimensions = array<i32: 1>} : vector<32x32768xi32>
    %mul3A = arith.constant 32768 : i32
    %mul3A_2 = arith.muli %arg0, %mul3A : i32
    %add3A = vector.broadcast %mul3A_2 : i32 to vector<32x32768xi32>
    %add3A_3 = arith.addi %iota3A, %add3A : vector<32x32768xi32>
    %iota3A_4 = tpu.iota {dimensions = array<i32: 0>} : vector<32x32768xi32>
    %mul3A_5 = arith.constant 1000000 : i32
    %mul3A_6 = vector.broadcast %mul3A_5 : i32 to vector<32x32768xi32>
    %mul3A_7 = arith.muli %iota3A_4, %mul3A_6 : vector<32x32768xi32>
    %add3A_8 = arith.addi %mul3A_7, %add3A_3 : vector<32x32768xi32>
    %add3A_9 = arith.constant 42 : i32
    %add3A_10 = vector.broadcast %add3A_9 : i32 to vector<32x32768xi32>
    %add3A_11 = arith.addi %add3A_8, %add3A_10 : vector<32x32768xi32>
    %shift_left3A = arith.constant 13 : i32
    %shift_left3A_12 = vector.broadcast %shift_left3A : i32 to vector<32x32768xi32>
    %shift_left3A_13 = arith.shli %add3A_11, %shift_left3A_12 : vector<32x32768xi32>
    %shift_right_logical3A = arith.constant 19 : i32
    %shift_right_logical3A_14 = vector.broadcast %shift_right_logical3A : i32 to vector<32x32768xi32>
    %shift_right_logical3A_15 = arith.shrui %add3A_11, %shift_right_logical3A_14 : vector<32x32768xi32>
    %or3A = arith.ori %shift_left3A_13, %shift_right_logical3A_15 : vector<32x32768xi32>
    %xor3A = arith.xori %or3A, %add3A_11 : vector<32x32768xi32>
    %add3A_16 = arith.addi %add3A_11, %xor3A : vector<32x32768xi32>
    %shift_left3A_17 = arith.constant 15 : i32
    %shift_left3A_18 = vector.broadcast %shift_left3A_17 : i32 to vector<32x32768xi32>
    %shift_left3A_19 = arith.shli %xor3A, %shift_left3A_18 : vector<32x32768xi32>
    %shift_right_logical3A_20 = arith.constant 17 : i32
    %shift_right_logical3A_21 = vector.broadcast %shift_right_logical3A_20 : i32 to vector<32x32768xi32>
    %shift_right_logical3A_22 = arith.shrui %xor3A, %shift_right_logical3A_21 : vector<32x32768xi32>
    %or3A_23 = arith.ori %shift_left3A_19, %shift_right_logical3A_22 : vector<32x32768xi32>
    %xor3A_24 = arith.xori %or3A_23, %add3A_16 : vector<32x32768xi32>
    %add3A_25 = arith.addi %add3A_16, %xor3A_24 : vector<32x32768xi32>
    %shift_left3A_26 = arith.constant 26 : i32
    %shift_left3A_27 = vector.broadcast %shift_left3A_26 : i32 to vector<32x32768xi32>
    %shift_left3A_28 = arith.shli %xor3A_24, %shift_left3A_27 : vector<32x32768xi32>
    %shift_right_logical3A_29 = arith.constant 6 : i32
    %shift_right_logical3A_30 = vector.broadcast %shift_right_logical3A_29 : i32 to vector<32x32768xi32>
    %shift_right_logical3A_31 = arith.shrui %xor3A_24, %shift_right_logical3A_30 : vector<32x32768xi32>
    %or3A_32 = arith.ori %shift_left3A_28, %shift_right_logical3A_31 : vector<32x32768xi32>
    %xor3A_33 = arith.xori %or3A_32, %add3A_25 : vector<32x32768xi32>
    %add3A_34 = arith.addi %add3A_25, %xor3A_33 : vector<32x32768xi32>
    %shift_left3A_35 = arith.constant 6 : i32
    %shift_left3A_36 = vector.broadcast %shift_left3A_35 : i32 to vector<32x32768xi32>
    %shift_left3A_37 = arith.shli %xor3A_33, %shift_left3A_36 : vector<32x32768xi32>
    %shift_right_logical3A_38 = arith.constant 26 : i32
    %shift_right_logical3A_39 = vector.broadcast %shift_right_logical3A_38 : i32 to vector<32x32768xi32>
    %shift_right_logical3A_40 = arith.shrui %xor3A_33, %shift_right_logical3A_39 : vector<32x32768xi32>
    %or3A_41 = arith.ori %shift_left3A_37, %shift_right_logical3A_40 : vector<32x32768xi32>
    %xor3A_42 = arith.xori %or3A_41, %add3A_34 : vector<32x32768xi32>
    %add3A_43 = arith.constant 42 : i32
    %add3A_44 = vector.broadcast %add3A_43 : i32 to vector<32x32768xi32>
    %add3A_45 = arith.addi %add3A_34, %add3A_44 : vector<32x32768xi32>
    %add3A_46 = arith.constant 466689009 : i32
    %add3A_47 = vector.broadcast %add3A_46 : i32 to vector<32x32768xi32>
    %add3A_48 = arith.addi %xor3A_42, %add3A_47 : vector<32x32768xi32>
    %add3A_49 = arith.addi %add3A_45, %add3A_48 : vector<32x32768xi32>
    %shift_left3A_50 = arith.constant 17 : i32
    %shift_left3A_51 = vector.broadcast %shift_left3A_50 : i32 to vector<32x32768xi32>
    %shift_left3A_52 = arith.shli %add3A_48, %shift_left3A_51 : vector<32x32768xi32>
    %shift_right_logical3A_53 = arith.constant 15 : i32
    %shift_right_logical3A_54 = vector.broadcast %shift_right_logical3A_53 : i32 to vector<32x32768xi32>
    %shift_right_logical3A_55 = arith.shrui %add3A_48, %shift_right_logical3A_54 : vector<32x32768xi32>
    %or3A_56 = arith.ori %shift_left3A_52, %shift_right_logical3A_55 : vector<32x32768xi32>
    %xor3A_57 = arith.xori %or3A_56, %add3A_49 : vector<32x32768xi32>
    %add3A_58 = arith.addi %add3A_49, %xor3A_57 : vector<32x32768xi32>
    %shift_left3A_59 = arith.constant 29 : i32
    %shift_left3A_60 = vector.broadcast %shift_left3A_59 : i32 to vector<32x32768xi32>
    %shift_left3A_61 = arith.shli %xor3A_57, %shift_left3A_60 : vector<32x32768xi32>
    %shift_right_logical3A_62 = arith.constant 3 : i32
    %shift_right_logical3A_63 = vector.broadcast %shift_right_logical3A_62 : i32 to vector<32x32768xi32>
    %shift_right_logical3A_64 = arith.shrui %xor3A_57, %shift_right_logical3A_63 : vector<32x32768xi32>
    %or3A_65 = arith.ori %shift_left3A_61, %shift_right_logical3A_64 : vector<32x32768xi32>
    %xor3A_66 = arith.xori %or3A_65, %add3A_58 : vector<32x32768xi32>
    %add3A_67 = arith.addi %add3A_58, %xor3A_66 : vector<32x32768xi32>
    %shift_left3A_68 = arith.constant 16 : i32
    %shift_left3A_69 = vector.broadcast %shift_left3A_68 : i32 to vector<32x32768xi32>
    %shift_left3A_70 = arith.shli %xor3A_66, %shift_left3A_69 : vector<32x32768xi32>
    %shift_right_logical3A_71 = arith.constant 16 : i32
    %shift_right_logical3A_72 = vector.broadcast %shift_right_logical3A_71 : i32 to vector<32x32768xi32>
    %shift_right_logical3A_73 = arith.shrui %xor3A_66, %shift_right_logical3A_72 : vector<32x32768xi32>
    %or3A_74 = arith.ori %shift_left3A_70, %shift_right_logical3A_73 : vector<32x32768xi32>
    %xor3A_75 = arith.xori %or3A_74, %add3A_67 : vector<32x32768xi32>
    %add3A_76 = arith.addi %add3A_67, %xor3A_75 : vector<32x32768xi32>
    %shift_left3A_77 = arith.constant 24 : i32
    %shift_left3A_78 = vector.broadcast %shift_left3A_77 : i32 to vector<32x32768xi32>
    %shift_left3A_79 = arith.shli %xor3A_75, %shift_left3A_78 : vector<32x32768xi32>
    %shift_right_logical3A_80 = arith.constant 8 : i32
    %shift_right_logical3A_81 = vector.broadcast %shift_right_logical3A_80 : i32 to vector<32x32768xi32>
    %shift_right_logical3A_82 = arith.shrui %xor3A_75, %shift_right_logical3A_81 : vector<32x32768xi32>
    %or3A_83 = arith.ori %shift_left3A_79, %shift_right_logical3A_82 : vector<32x32768xi32>
    %xor3A_84 = arith.xori %or3A_83, %add3A_76 : vector<32x32768xi32>
    %add3A_85 = arith.constant 466689008 : i32
    %add3A_86 = vector.broadcast %add3A_85 : i32 to vector<32x32768xi32>
    %add3A_87 = arith.addi %add3A_76, %add3A_86 : vector<32x32768xi32>
    %add3A_88 = arith.constant 2 : i32
    %add3A_89 = vector.broadcast %add3A_88 : i32 to vector<32x32768xi32>
    %add3A_90 = arith.addi %xor3A_84, %add3A_89 : vector<32x32768xi32>
    %add3A_91 = arith.addi %add3A_87, %add3A_90 : vector<32x32768xi32>
    %shift_left3A_92 = arith.constant 13 : i32
    %shift_left3A_93 = vector.broadcast %shift_left3A_92 : i32 to vector<32x32768xi32>
    %shift_left3A_94 = arith.shli %add3A_90, %shift_left3A_93 : vector<32x32768xi32>
    %shift_right_logical3A_95 = arith.constant 19 : i32
    %shift_right_logical3A_96 = vector.broadcast %shift_right_logical3A_95 : i32 to vector<32x32768xi32>
    %shift_right_logical3A_97 = arith.shrui %add3A_90, %shift_right_logical3A_96 : vector<32x32768xi32>
    %or3A_98 = arith.ori %shift_left3A_94, %shift_right_logical3A_97 : vector<32x32768xi32>
    %xor3A_99 = arith.xori %or3A_98, %add3A_91 : vector<32x32768xi32>
    %add3A_100 = arith.addi %add3A_91, %xor3A_99 : vector<32x32768xi32>
    %shift_left3A_101 = arith.constant 15 : i32
    %shift_left3A_102 = vector.broadcast %shift_left3A_101 : i32 to vector<32x32768xi32>
    %shift_left3A_103 = arith.shli %xor3A_99, %shift_left3A_102 : vector<32x32768xi32>
    %shift_right_logical3A_104 = arith.constant 17 : i32
    %shift_right_logical3A_105 = vector.broadcast %shift_right_logical3A_104 : i32 to vector<32x32768xi32>
    %shift_right_logical3A_106 = arith.shrui %xor3A_99, %shift_right_logical3A_105 : vector<32x32768xi32>
    %or3A_107 = arith.ori %shift_left3A_103, %shift_right_logical3A_106 : vector<32x32768xi32>
    %xor3A_108 = arith.xori %or3A_107, %add3A_100 : vector<32x32768xi32>
    %add3A_109 = arith.addi %add3A_100, %xor3A_108 : vector<32x32768xi32>
    %shift_left3A_110 = arith.constant 26 : i32
    %shift_left3A_111 = vector.broadcast %shift_left3A_110 : i32 to vector<32x32768xi32>
    %shift_left3A_112 = arith.shli %xor3A_108, %shift_left3A_111 : vector<32x32768xi32>
    %shift_right_logical3A_113 = arith.constant 6 : i32
    %shift_right_logical3A_114 = vector.broadcast %shift_right_logical3A_113 : i32 to vector<32x32768xi32>
    %shift_right_logical3A_115 = arith.shrui %xor3A_108, %shift_right_logical3A_114 : vector<32x32768xi32>
    %or3A_116 = arith.ori %shift_left3A_112, %shift_right_logical3A_115 : vector<32x32768xi32>
    %xor3A_117 = arith.xori %or3A_116, %add3A_109 : vector<32x32768xi32>
    %add3A_118 = arith.addi %add3A_109, %xor3A_117 : vector<32x32768xi32>
    %shift_left3A_119 = arith.constant 6 : i32
    %shift_left3A_120 = vector.broadcast %shift_left3A_119 : i32 to vector<32x32768xi32>
    %shift_left3A_121 = arith.shli %xor3A_117, %shift_left3A_120 : vector<32x32768xi32>
    %shift_right_logical3A_122 = arith.constant 26 : i32
    %shift_right_logical3A_123 = vector.broadcast %shift_right_logical3A_122 : i32 to vector<32x32768xi32>
    %shift_right_logical3A_124 = arith.shrui %xor3A_117, %shift_right_logical3A_123 : vector<32x32768xi32>
    %or3A_125 = arith.ori %shift_left3A_121, %shift_right_logical3A_124 : vector<32x32768xi32>
    %xor3A_126 = arith.xori %or3A_125, %add3A_118 : vector<32x32768xi32>
    %add3A_127 = arith.constant 0 : i32
    %add3A_128 = vector.broadcast %add3A_127 : i32 to vector<32x32768xi32>
    %add3A_129 = arith.addi %add3A_118, %add3A_128 : vector<32x32768xi32>
    %add3A_130 = arith.constant 45 : i32
    %add3A_131 = vector.broadcast %add3A_130 : i32 to vector<32x32768xi32>
    %add3A_132 = arith.addi %xor3A_126, %add3A_131 : vector<32x32768xi32>
    %add3A_133 = arith.addi %add3A_129, %add3A_132 : vector<32x32768xi32>
    %shift_left3A_134 = arith.constant 17 : i32
    %shift_left3A_135 = vector.broadcast %shift_left3A_134 : i32 to vector<32x32768xi32>
    %shift_left3A_136 = arith.shli %add3A_132, %shift_left3A_135 : vector<32x32768xi32>
    %shift_right_logical3A_137 = arith.constant 15 : i32
    %shift_right_logical3A_138 = vector.broadcast %shift_right_logical3A_137 : i32 to vector<32x32768xi32>
    %shift_right_logical3A_139 = arith.shrui %add3A_132, %shift_right_logical3A_138 : vector<32x32768xi32>
    %or3A_140 = arith.ori %shift_left3A_136, %shift_right_logical3A_139 : vector<32x32768xi32>
    %xor3A_141 = arith.xori %or3A_140, %add3A_133 : vector<32x32768xi32>
    %add3A_142 = arith.addi %add3A_133, %xor3A_141 : vector<32x32768xi32>
    %shift_left3A_143 = arith.constant 29 : i32
    %shift_left3A_144 = vector.broadcast %shift_left3A_143 : i32 to vector<32x32768xi32>
    %shift_left3A_145 = arith.shli %xor3A_141, %shift_left3A_144 : vector<32x32768xi32>
    %shift_right_logical3A_146 = arith.constant 3 : i32
    %shift_right_logical3A_147 = vector.broadcast %shift_right_logical3A_146 : i32 to vector<32x32768xi32>
    %shift_right_logical3A_148 = arith.shrui %xor3A_141, %shift_right_logical3A_147 : vector<32x32768xi32>
    %or3A_149 = arith.ori %shift_left3A_145, %shift_right_logical3A_148 : vector<32x32768xi32>
    %xor3A_150 = arith.xori %or3A_149, %add3A_142 : vector<32x32768xi32>
    %add3A_151 = arith.addi %add3A_142, %xor3A_150 : vector<32x32768xi32>
    %shift_left3A_152 = arith.constant 16 : i32
    %shift_left3A_153 = vector.broadcast %shift_left3A_152 : i32 to vector<32x32768xi32>
    %shift_left3A_154 = arith.shli %xor3A_150, %shift_left3A_153 : vector<32x32768xi32>
    %shift_right_logical3A_155 = arith.constant 16 : i32
    %shift_right_logical3A_156 = vector.broadcast %shift_right_logical3A_155 : i32 to vector<32x32768xi32>
    %shift_right_logical3A_157 = arith.shrui %xor3A_150, %shift_right_logical3A_156 : vector<32x32768xi32>
    %or3A_158 = arith.ori %shift_left3A_154, %shift_right_logical3A_157 : vector<32x32768xi32>
    %xor3A_159 = arith.xori %or3A_158, %add3A_151 : vector<32x32768xi32>
    %add3A_160 = arith.addi %add3A_151, %xor3A_159 : vector<32x32768xi32>
    %shift_left3A_161 = arith.constant 24 : i32
    %shift_left3A_162 = vector.broadcast %shift_left3A_161 : i32 to vector<32x32768xi32>
    %shift_left3A_163 = arith.shli %xor3A_159, %shift_left3A_162 : vector<32x32768xi32>
    %shift_right_logical3A_164 = arith.constant 8 : i32
    %shift_right_logical3A_165 = vector.broadcast %shift_right_logical3A_164 : i32 to vector<32x32768xi32>
    %shift_right_logical3A_166 = arith.shrui %xor3A_159, %shift_right_logical3A_165 : vector<32x32768xi32>
    %or3A_167 = arith.ori %shift_left3A_163, %shift_right_logical3A_166 : vector<32x32768xi32>
    %xor3A_168 = arith.xori %or3A_167, %add3A_160 : vector<32x32768xi32>
    %add3A_169 = arith.constant 42 : i32
    %add3A_170 = vector.broadcast %add3A_169 : i32 to vector<32x32768xi32>
    %add3A_171 = arith.addi %add3A_160, %add3A_170 : vector<32x32768xi32>
    %add3A_172 = arith.constant 466689012 : i32
    %add3A_173 = vector.broadcast %add3A_172 : i32 to vector<32x32768xi32>
    %add3A_174 = arith.addi %xor3A_168, %add3A_173 : vector<32x32768xi32>
    %add3A_175 = arith.addi %add3A_171, %add3A_174 : vector<32x32768xi32>
    %shift_left3A_176 = arith.constant 13 : i32
    %shift_left3A_177 = vector.broadcast %shift_left3A_176 : i32 to vector<32x32768xi32>
    %shift_left3A_178 = arith.shli %add3A_174, %shift_left3A_177 : vector<32x32768xi32>
    %shift_right_logical3A_179 = arith.constant 19 : i32
    %shift_right_logical3A_180 = vector.broadcast %shift_right_logical3A_179 : i32 to vector<32x32768xi32>
    %shift_right_logical3A_181 = arith.shrui %add3A_174, %shift_right_logical3A_180 : vector<32x32768xi32>
    %or3A_182 = arith.ori %shift_left3A_178, %shift_right_logical3A_181 : vector<32x32768xi32>
    %xor3A_183 = arith.xori %or3A_182, %add3A_175 : vector<32x32768xi32>
    %add3A_184 = arith.addi %add3A_175, %xor3A_183 : vector<32x32768xi32>
    %shift_left3A_185 = arith.constant 15 : i32
    %shift_left3A_186 = vector.broadcast %shift_left3A_185 : i32 to vector<32x32768xi32>
    %shift_left3A_187 = arith.shli %xor3A_183, %shift_left3A_186 : vector<32x32768xi32>
    %shift_right_logical3A_188 = arith.constant 17 : i32
    %shift_right_logical3A_189 = vector.broadcast %shift_right_logical3A_188 : i32 to vector<32x32768xi32>
    %shift_right_logical3A_190 = arith.shrui %xor3A_183, %shift_right_logical3A_189 : vector<32x32768xi32>
    %or3A_191 = arith.ori %shift_left3A_187, %shift_right_logical3A_190 : vector<32x32768xi32>
    %xor3A_192 = arith.xori %or3A_191, %add3A_184 : vector<32x32768xi32>
    %add3A_193 = arith.addi %add3A_184, %xor3A_192 : vector<32x32768xi32>
    %shift_left3A_194 = arith.constant 26 : i32
    %shift_left3A_195 = vector.broadcast %shift_left3A_194 : i32 to vector<32x32768xi32>
    %shift_left3A_196 = arith.shli %xor3A_192, %shift_left3A_195 : vector<32x32768xi32>
    %shift_right_logical3A_197 = arith.constant 6 : i32
    %shift_right_logical3A_198 = vector.broadcast %shift_right_logical3A_197 : i32 to vector<32x32768xi32>
    %shift_right_logical3A_199 = arith.shrui %xor3A_192, %shift_right_logical3A_198 : vector<32x32768xi32>
    %or3A_200 = arith.ori %shift_left3A_196, %shift_right_logical3A_199 : vector<32x32768xi32>
    %xor3A_201 = arith.xori %or3A_200, %add3A_193 : vector<32x32768xi32>
    %add3A_202 = arith.addi %add3A_193, %xor3A_201 : vector<32x32768xi32>
    %shift_left3A_203 = arith.constant 6 : i32
    %shift_left3A_204 = vector.broadcast %shift_left3A_203 : i32 to vector<32x32768xi32>
    %shift_left3A_205 = arith.shli %xor3A_201, %shift_left3A_204 : vector<32x32768xi32>
    %shift_right_logical3A_206 = arith.constant 26 : i32
    %shift_right_logical3A_207 = vector.broadcast %shift_right_logical3A_206 : i32 to vector<32x32768xi32>
    %shift_right_logical3A_208 = arith.shrui %xor3A_201, %shift_right_logical3A_207 : vector<32x32768xi32>
    %or3A_209 = arith.ori %shift_left3A_205, %shift_right_logical3A_208 : vector<32x32768xi32>
    %xor3A_210 = arith.xori %or3A_209, %add3A_202 : vector<32x32768xi32>
    %add3A_211 = arith.constant 466689008 : i32
    %add3A_212 = vector.broadcast %add3A_211 : i32 to vector<32x32768xi32>
    %add3A_213 = arith.addi %add3A_202, %add3A_212 : vector<32x32768xi32>
    %add3A_214 = arith.constant 5 : i32
    %add3A_215 = vector.broadcast %add3A_214 : i32 to vector<32x32768xi32>
    %add3A_216 = arith.addi %xor3A_210, %add3A_215 : vector<32x32768xi32>
    %xor3A_217 = arith.xori %add3A_213, %add3A_216 : vector<32x32768xi32>
    %shift_right_logical3A_218 = arith.constant 9 : i32
    %shift_right_logical3A_219 = vector.broadcast %shift_right_logical3A_218 : i32 to vector<32x32768xi32>
    %shift_right_logical3A_220 = arith.shrui %xor3A_217, %shift_right_logical3A_219 : vector<32x32768xi32>
    %or3A_221 = arith.constant 1065353216 : i32
    %or3A_222 = vector.broadcast %or3A_221 : i32 to vector<32x32768xi32>
    %or3A_223 = arith.ori %shift_right_logical3A_220, %or3A_222 : vector<32x32768xi32>
    %bitcast_convert_type3A = tpu.bitcast %or3A_223 : vector<32x32768xi32> -> vector<32x32768xf32>
    %sub3A = arith.constant 1.000000e+00 : f32
    %sub3A_224 = vector.broadcast %sub3A : f32 to vector<32x32768xf32>
    %sub3A_225 = arith.subf %bitcast_convert_type3A, %sub3A_224 : vector<32x32768xf32>
    %add3A_226 = arith.constant 1.17549435E-38 : f32
    %add3A_227 = vector.broadcast %add3A_226 : f32 to vector<32x32768xf32>
    %add3A_228 = arith.addf %sub3A_225, %add3A_227 : vector<32x32768xf32>
    %max3A = arith.constant 1.17549435E-38 : f32
    %max3A_229 = vector.broadcast %max3A : f32 to vector<32x32768xf32>
    %max3A_230 = arith.maximumf %max3A_229, %add3A_228 : vector<32x32768xf32>
    %log3A = math.log %max3A_230 : vector<32x32768xf32>
    %neg3A = arith.constant 0.000000e+00 : f32
    %neg3A_231 = vector.broadcast %neg3A : f32 to vector<32x32768xf32>
    %neg3A_232 = arith.subf %neg3A_231, %log3A : vector<32x32768xf32>
    %log3A_233 = math.log %neg3A_232 : vector<32x32768xf32>
    %neg3A_234 = arith.constant 0.000000e+00 : f32
    %neg3A_235 = vector.broadcast %neg3A_234 : f32 to vector<32x32768xf32>
    %neg3A_236 = arith.subf %neg3A_235, %log3A_233 : vector<32x32768xf32>
    %div3A = arith.constant 2.200000e+00 : f32
    %div3A_237 = vector.broadcast %div3A : f32 to vector<32x32768xf32>
    %div3A_238 = arith.divf %get3A_1, %div3A_237 : vector<32x32768xf32>
    %add3A_239 = arith.addf %div3A_238, %neg3A_236 : vector<32x32768xf32>
    %eq3A = arith.constant 0 : i32
    %eq3A_240 = arith.cmpi eq, %arg0, %eq3A : i32
    %get3A_241 = arith.constant 0 : index
    %get3A_242 = arith.constant 0 : index
    %get3A_243 = vector.load %arg4[%get3A_241, %get3A_242] : memref<32x32768xf32, #tpu.memory_space<vmem>>, vector<32x32768xf32>
    %jit3A = arith.constant 0xFF800000 : f32
    %broadcast_in_dim3A = vector.broadcast %jit3A : f32 to vector<32x32768xf32>
    %select_n3A = arith.select %eq3A_240, %broadcast_in_dim3A, %get3A_243 : vector<32x32768xf32>
    %gt3A = arith.cmpf ogt, %add3A_239, %select_n3A : vector<32x32768xf32>
    %select_n3A_244 = arith.select %gt3A, %add3A_239, %select_n3A : vector<32x32768xi1>, vector<32x32768xf32>
    %swap3A = arith.constant 0 : index
    %swap3A_245 = arith.constant 0 : index
    %swap3A_246 = vector.load %arg4[%swap3A, %swap3A_245] : memref<32x32768xf32, #tpu.memory_space<vmem>>, vector<32x32768xf32>
    tpu.vector_store %arg4[%swap3A, %swap3A_245], %select_n3A_244 {strides = array<i32>} : memref<32x32768xf32, #tpu.memory_space<vmem>>, vector<32x32768xf32>,
    %get3A_247 = arith.constant 0 : index
    %get3A_248 = arith.constant 0 : index
    %get3A_249 = vector.load %arg5[%get3A_247, %get3A_248] : memref<32x32768xi32, #tpu.memory_space<vmem>>, vector<32x32768xi32>
    %select_n3A_250 = arith.select %gt3A, %add3A_3, %get3A_249 : vector<32x32768xi1>, vector<32x32768xi32>
    %swap3A_251 = arith.constant 0 : index
    %swap3A_252 = arith.constant 0 : index
    %swap3A_253 = vector.load %arg5[%swap3A_251, %swap3A_252] : memref<32x32768xi32, #tpu.memory_space<vmem>>, vector<32x32768xi32>
    tpu.vector_store %arg5[%swap3A_251, %swap3A_252], %select_n3A_250 {strides = array<i32>} : memref<32x32768xi32, #tpu.memory_space<vmem>>, vector<32x32768xi32>,
    %eq3A_254 = arith.constant 24 : i32
    %eq3A_255 = arith.cmpi eq, %arg0, %eq3A_254 : i32
    %convert_element_type3A = arith.extui %eq3A_255 : i1 to i32
    %cond3A = arith.constant 0 : i32
    %cond3A_256 = arith.cmpi ne, %convert_element_type3A, %cond3A : i32
    scf.if %cond3A_256 {
      %get3A_257 = arith.constant 0 : index
      %get3A_258 = arith.constant 0 : index
      %get3A_259 = vector.load %arg4[%get3A_257, %get3A_258] : memref<32x32768xf32, #tpu.memory_space<vmem>>, vector<32x32768xf32>
      %reduce_max3A = arith.constant dense<0xFF800000> : vector<32xf32>
      %reduce_max3A_260 = vector.multi_reduction <maximumf>, %get3A_259, %reduce_max3A [1] : vector<32x32768xf32> to vector<32xf32>
      %broadcast_in_dim3A_261 = vector.shape_cast %reduce_max3A_260 : vector<32xf32> to vector<32x1xf32>
      %eq3A_262 = vector.broadcast %broadcast_in_dim3A_261 : vector<32x1xf32> to vector<32x32768xf32>
      %eq3A_263 = arith.cmpf oeq, %get3A_259, %eq3A_262 : vector<32x32768xf32>
      %get3A_264 = arith.constant 0 : index
      %get3A_265 = arith.constant 0 : index
      %get3A_266 = vector.load %arg5[%get3A_264, %get3A_265] : memref<32x32768xi32, #tpu.memory_space<vmem>>, vector<32x32768xi32>
      %jit3A_267 = arith.constant 2147483647 : i32
      %broadcast_in_dim3A_268 = vector.broadcast %jit3A_267 : i32 to vector<32x32768xi32>
      %select_n3A_269 = arith.select %eq3A_263, %get3A_266, %broadcast_in_dim3A_268 : vector<32x32768xi1>, vector<32x32768xi32>
      %swap3A_270 = arith.constant 0 : index
      %swap3A_271 = arith.constant 0 : index
      %swap3A_272 = vector.load %arg2[%swap3A_270, %swap3A_271] : memref<32x1xf32, #tpu.memory_space<vmem>>, vector<32x1xf32>
      tpu.vector_store %arg2[%swap3A_270, %swap3A_271], %broadcast_in_dim3A_261 {strides = array<i32>} : memref<32x1xf32, #tpu.memory_space<vmem>>, vector<32x1xf32>,
      %reduce_min3A = arith.constant dense<2147483647> : vector<32xi32>
      %reduce_min3A_273 = vector.multi_reduction <minsi>, %select_n3A_269, %reduce_min3A [1] : vector<32x32768xi32> to vector<32xi32>
      %broadcast_in_dim3A_274 = vector.shape_cast %reduce_min3A_273 : vector<32xi32> to vector<32x1xi32>
      %swap3A_275 = arith.constant 0 : index
      %swap3A_276 = arith.constant 0 : index
      %swap3A_277 = vector.load %arg3[%swap3A_275, %swap3A_276] : memref<32x1xi32, #tpu.memory_space<vmem>>, vector<32x1xi32>
      tpu.vector_store %arg3[%swap3A_275, %swap3A_276], %broadcast_in_dim3A_274 {strides = array<i32>} : memref<32x1xi32, #tpu.memory_space<vmem>>, vector<32x1xi32>,
    } else {
    }
    return
  }
  func.func @transform_0(%arg0: i32) -> (i32, i32) {
    %c0_i32 = arith.constant 0 : i32
    %c0_i32_0 = arith.constant 0 : i32
    return %c0_i32, %arg0 : i32, i32
  }
  func.func @transform_1(%arg0: i32) -> (i32, i32) {
    %c0_i32 = arith.constant 0 : i32
    %c0_i32_0 = arith.constant 0 : i32
    %c0_i32_1 = arith.constant 0 : i32
    return %c0_i32, %c0_i32_0 : i32, i32
  }
  func.func @transform_2(%arg0: i32) -> (i32, i32) {
    %c0_i32 = arith.constant 0 : i32
    %c0_i32_0 = arith.constant 0 : i32
    %c0_i32_1 = arith.constant 0 : i32
    return %c0_i32, %c0_i32_0 : i32, i32
  }
}

</mosaic_0001>

<sc_bundles>
// kernel: kernel.5.cloned.1.call-start
scs
__scs_entry_jumppad:
0x0: {  	(pc) =	sbr.rel $0x88, $3  }
0x1: {  	(tag) =	ssettag $0x0;
	lr =	simm.s32 $0x1  }
0x2: {  	[smem:$0x3FA0] =	sst lr;
	_ =	strace $0xD0000000  }
0x3: {  	_ = 	snop  }
0x4: {  	_ = 	snop  }
0x5: {  	_ = 	snop  }
0x6: {  	_ = 	snop  }
0x7: {  	_ = 	snop  }
__scs_overlays_trampoline_lowered:
0x8: {  	[smem:$0x3FAF] =	sst s0  }
0x9: {  	[smem:$0x3FB0] =	sst s1  }
0xa: {  	[smem:$0x3FB1] =	sst s2  }
0xb: {  	[smem:$0x3FB2] =	sst s3  }
0xc: {  	[smem:$0x3FB3] =	sst s4  }
0xd: {  	[smem:$0x3FB4] =	sst s5  }
0xe: {  	[smem:$0x3FB5] =	sst s6  }
0xf: {  	[smem:$0x3FB6] =	sst s7  }
0x10: {  	[smem:$0x3FB7] =	sst s8  }
0x11: {  	[smem:$0x3FB8] =	sst s9;
	s0 =	simm.s32 @!p0 $0x0  }
0x12: {  	s1 =	sld [smem:$0x3F9E];
	s0 =	simm.s32 @p0 $0x1  }
0x13: {  	[smem:$0x3FB9] =	sst s0;
	s0 =	simm.s32 @!p1 $0x0  }
0x14: {  	s2 =	sld [smem:$0x3F9D];
	s0 =	simm.s32 @p1 $0x1  }
0x15: {  	[smem:$0x3FBA] =	sst s0;
	s0 =	simm.s32 @!p2 $0x0  }
0x16: {  	s3 =	sld [smem:$0x3FDB];
	s0 =	simm.s32 @p2 $0x1  }
0x17: {  	s4 =	simm.s32 $0x1BF5;
	[smem:$0x3FBC] =	sst s0  }
0x18: {  	s0 =	sld [smem:$0x3F9F];
	_ =	swait.ge [sflag:s4], $0x0  }
0x19: {  	s7 =	sld [smem:$0x3FA0]  }
0x1a: {  	s8 =	sadd.s32 $0xFFFFE003, lr  }
0x1b: {  	s9 =	sadd.s32 $0xFFFFFEF7, lr;
	s5 =	simm.s32 $0xFFFFFFFF;
	p2 =	slt.u32 s8, $0xFFFFF086  }
0x1c: {  	p1 =	slt.u32 s9, $0xF7A;
	s5 =	simm.s32 @!p2 $0x0  }
0x1d: {  	s5 =	simm.s32 @p1 $0x1;
	p0 =	seq.s32 s7, s2  }
0x1e: {  	s7 =	smul.u32 @!p0 $0xF7A, s2;
	p2 =	seq.s32 @!p0 s5, $0x0  }
0x1f: {  	s9 =	smul.u32 $0xF7A, s1;
	s8 =	simm.s32 @!p0 $0x1BF5;
	p2 =	por !p2, p0  }
0x20: {  	[sflag:s8] =	ssyncset.s32 @!p0 $0xFFFFF086;
	s6 =	sadd.s32 @!p0 s3, s7;
	s7 =	simm.s32 @!p0 $0x108  }
0x21: {  	s3 =	sadd.s32 s3, s9;
	s6 =	sadd.s32 @!p0 $0x88, s6;
	s7 =	simm.s32 @p2 $0x1082  }
0x22: {  	[simem:s7], [sflag:s8] =	dma.local @!p0 [hbm:s6], $0xF7A  }
0x23: {  	s9 =	sor.u32 $0xD0000000, s2;
	s6 =	simm.s32 $0x108;
	_ =	swait.ge @!p0 [sflag:s8], $0x0  }
0x24: {  	s3 =	sadd.s32 $0x88, s3;
	s6 =	simm.s32 @!p1 $0x1082;
	[sflag:s4] =	ssyncset.s32 $0xFFFFF086  }
0x25: {  	[simem:s6], [sflag:s4] =	dma.local [hbm:s3], $0xF7A  }
0x26: {  	[smem:$0x3FA0] =	sst s1;
	(tag) =	ssettag s2;
	_ =	strace s9  }
0x27: {  	s1 =	sld [smem:$0x3FB0]  }
0x28: {  	s2 =	sld [smem:$0x3FB1]  }
0x29: {  	s4 =	sld [smem:$0x3FB3]  }
0x2a: {  	p0 =	seq.s32 s5, $0x0;
	s5 =	sld [smem:$0x3FB4]  }
0x2b: {  	s6 =	sld [smem:$0x3FB5]  }
0x2c: {  	s7 =	sld [smem:$0x3FB6]  }
0x2d: {  	s3 =	simm.s32 $0x108;
	s8 =	sld [smem:$0x3FB7]  }
0x2e: {  	s3 =	simm.s32 @!p0 $0x1082;
	s9 =	sld [smem:$0x3FB8]  }
0x2f: {  	lr =	sadd.s32 s0, s3;
	s0 =	sld [smem:$0x3FAF]  }
0x30: {  	s3 =	sld [smem:$0x3FB2]  }
0x31: {  	[smem:$0x3FBB] =	sst s10  }
0x32: {  	s10 =	sld [smem:$0x3FB9];
	_ =	sdelay $0x3  }
0x33: {  	p0 =	seq.s32 s10, $0x1;
	s10 =	sld [smem:$0x3FBB];
	_ =	sdelay $0x3  }
0x34: {  	[smem:$0x3FBB] =	sst s10  }
0x35: {  	s10 =	sld [smem:$0x3FBA];
	_ =	sdelay $0x3  }
0x36: {  	p1 =	seq.s32 s10, $0x1;
	s10 =	sld [smem:$0x3FBB];
	_ =	sdelay $0x3  }
0x37: {  	[smem:$0x3FBB] =	sst s10  }
0x38: {  	s10 =	sld [smem:$0x3FBC]  }
0x39: {  	_ = 	snop;
	(pc) =	sbr.ind lr, $3  }
0x3a: {  	_ = 	snop  }
0x3b: {  	_ = 	snop  }
0x3c: {  	p2 =	seq.s32 s10, $0x1;
	s10 =	sld [smem:$0x3FBB]  }
0x3d: {  	_ =	shalt  }
0x3e: {  	_ =	shalt  }
0x3f: {  	_ =	shalt  }
0x40: {  	_ =	shalt  }
0x41: {  	_ =	shalt  }
0x42: {  	_ =	shalt  }
0x43: {  	_ =	shalt  }
0x44: {  	_ =	shalt  }
0x45: {  	_ =	shalt  }
0x46: {  	_ =	shalt  }
0x47: {  	_ =	shalt  }
0x48: {  	_ =	shalt  }
0x49: {  	_ =	shalt  }
0x4a: {  	_ =	shalt  }
0x4b: {  	_ =	shalt  }
0x4c: {  	_ =	shalt  }
0x4d: {  	_ =	shalt  }
0x4e: {  	_ =	shalt  }
0x4f: {  	_ =	shalt  }
0x50: {  	_ =	shalt  }
0x51: {  	_ =	shalt  }
0x52: {  	_ =	shalt  }
0x53: {  	_ =	shalt  }
0x54: {  	_ =	shalt  }
0x55: {  	_ =	shalt  }
0x56: {  	_ =	shalt  }
0x57: {  	_ =	shalt  }
0x58: {  	_ =	shalt  }
0x59: {  	_ =	shalt  }
0x5a: {  	_ =	shalt  }
0x5b: {  	_ =	shalt  }
0x5c: {  	_ =	shalt  }
0x5d: {  	_ =	shalt  }
0x5e: {  	_ =	shalt  }
0x5f: {  	_ =	shalt  }
0x60: {  	_ =	shalt  }
0x61: {  	_ =	shalt  }
0x62: {  	_ =	shalt  }
0x63: {  	_ =	shalt  }
0x64: {  	_ =	shalt  }
0x65: {  	_ =	shalt  }
0x66: {  	_ =	shalt  }
0x67: {  	_ =	shalt  }
0x68: {  	_ =	shalt  }
0x69: {  	_ =	shalt  }
0x6a: {  	_ =	shalt  }
0x6b: {  	_ =	shalt  }
0x6c: {  	_ =	shalt  }
0x6d: {  	_ =	shalt  }
0x6e: {  	_ =	shalt  }
0x6f: {  	_ =	shalt  }
0x70: {  	_ =	shalt  }
0x71: {  	_ =	shalt  }
0x72: {  	_ =	shalt  }
0x73: {  	_ =	shalt  }
0x74: {  	_ =	shalt  }
0x75: {  	_ =	shalt  }
0x76: {  	_ =	shalt  }
0x77: {  	_ =	shalt  }
0x78: {  	_ =	shalt  }
0x79: {  	_ =	shalt  }
0x7a: {  	_ =	shalt  }
0x7b: {  	_ =	shalt  }
0x7c: {  	_ =	shalt  }
0x7d: {  	_ =	shalt  }
0x7e: {  	_ =	shalt  }
0x7f: {  	_ =	shalt  }
0x80: {  	_ =	shalt  }
0x81: {  	_ =	shalt  }
0x82: {  	_ =	shalt  }
0x83: {  	_ =	shalt  }
0x84: {  	_ =	shalt  }
0x85: {  	_ =	shalt  }
0x86: {  	_ =	shalt  }
0x87: {  	_ =	shalt  }
.Lfunc_end0:
.L_simem_size_0:
called_computation_lowered:
.L_overlay_start_0:
0x88: {  	s2 =	sld [smem:$0x3FD9]  }
0x89: {  	s3 =	sld [smem:$0x3FFE];
	_ =	sdelay $0x1  }
0x8a: {  	s1 =	srdreg.scid  }
0x8b: {  	s0 =	sand.u32 $0x1, s1  }
0x8c: {  	s16 =	sshll.u32 s0, $0xA;
	s2 =	sadd.s32 s3, s2  }
0x8d: {  	s2 =	sadd.s32 s2, s16  }
0x8e: {  	[smem:$0x3FC7] =	sst s2  }
0x8f: {  	_ = 	snop  }
0x90: {  	(tm) =	ssettm $0x1  }
0x91: {  	s17 =	sld [smem:$0x3FFB];
	_ =	sdelay $0x3  }
0x92: {  	_ =	strace s17  }
0x93: {  	s2 =	sld [smem:$0x3FFC];
	_ =	sdelay $0x3  }
0x94: {  	_ =	strace s2  }
0x95: {  	s2 =	sld [smem:$0x3FFD];
	_ =	sdelay $0x3  }
0x96: {  	_ =	strace s2  }
0x97: {  	_ =	strace $0x8FFFFFFF  }
0x98: {  	s18 =	sld [smem:$0x3FDB];
	_ =	sdelay $0x1  }
0x99: {  	s19 =	simm.s32 $_scs_section_size  }
0x9a: {  	s4 =	simm.s32 $_size__tile_overlayer_lowered;
	s5 =	simm.s32 $_tile_overlayer_lowered  }
0x9b: {  	s22 =	simm.s32 $0x1BFF;
	s21 =	sshll.u32 s5, $0x1;
	s2 =	sadd.s32 s19, s18  }
0x9c: {  	s6 =	simm.s32 $0x0;
	s20 =	sshll.u32 s4, $0x1;
	s4 =	sadd.s32 s21, s2  }
0x9d: {  	[timem:s6], [sflag:s22] =	dma.local [hbm:s4], s20  }
0x9e: {  	_ =	swait.ge [sflag:s22], s20  }
0x9f: {  	s3 =	ssub.s32 $0x0, s20;
	[sflag:s22] =	ssyncset.done $0x0  }
0xa0: {  	[sflag:s22] =	ssyncadd.s32 s3;
	_ =	sdelay $0x1  }
0xa1: {  	s23 =	simm.s32 $0x1B8B  }
0xa2: {  	_ =	swait.ge [sflag:s23], $0x1  }
0xa3: {  	[sflag:s23] =	ssyncset.done $0x0  }
0xa4: {  	s25 =	simm.s32 $0x1B8E;
	s24 =	sld [smem:$0x3FFE];
	[sflag:s23] =	ssyncadd.s32 $0xFFFFFFFF  }
0xa5: {  	s26 =	simm.s32 $execute0_lowered;
	[smem:$0x3FD2] =	sst s25  }
0xa6: {  	s4 =	sshll.u32 s26, $0x1;
	_ =	strace $0x80000046;
	[dreg:$0x1] =	wrdreg $0xFFFFFFFF  }
0xa7: {  	s28 =	simm.s32 $_size_execute0_lowered;
	s2 =	sadd.s32 s2, s4;
	[dreg:$0x0] =	wrdreg $0x0  }
0xa8: {  	s4 =	sshll.u32 s28, $0x1;
	[dreg:$0x2] =	wrdreg s2  }
0xa9: {  	[dreg:$0x3] =	wrdreg s4  }
0xaa: {  	[dreg:$0x4] =	wrdreg $0xC0  }
0xab: {  	_ =	task [dreg:s6], $0x5FFFF  }
0xac: {  	[dreg:$0x1] =	wrdreg $0xFFFFFFFF  }
0xad: {  	[dreg:$0x0] =	wrdreg $0x60  }
0xae: {  	[dreg:$0x2] =	wrdreg s24  }
0xaf: {  	[dreg:$0x3] =	wrdreg $0x9  }
0xb0: {  	_ =	task.clear_ibuf [dreg:s6], $0x4FFFF;
	_ =	strace $0x90000046  }
0xb1: {  	s29 =	simm.s32 $0x9;
	_ =	strace $0x80000048  }
0xb2: {  	_ =	swait.ge [sflag:s29], $0x1  }
0xb3: {  	[sflag:s29] =	ssyncadd.s32 $0xFFFFFFFF  }
0xb4: {  	_ =	strace $0x90000048  }
0xb5: {  	_ =	sfence  }
0xb6: {  	s30 =	sld [smem:$0x0];
	_ =	sdelay $0x2  }
0xb7: {  	s31 =	sshll.u32 s1, $0xD;
	s1 =	sshrl.u32 s1, $0x2  }
0xb8: {  	s3 =	sand.u32 $0x4000, s31;
	s1 =	sadd.s32 s1, s30  }
0xb9: {  	s0 =	sor.u32 s3, s0;
	s1 =	sshll.u32 s1, $0x11  }
0xba: {  	s0 =	sor.u32 s1, s0  }
0xbb: {  	s0 =	sadd.s32 $0x8F2B, s0  }
0xbc: {  	[sflag:s0] =	ssyncadd.remote.s32 $0x1  }
0xbd: {  	_ =	sfence.sel $0xFFFF  }
0xbe: {  	[dreg:$0x0] =	wrdreg $0xFFFFFFFF;
	(pc) =	sbr.abs _section_cstart, $3  }
0xbf: {  	[dreg:$0x1] =	wrdreg $0xFFFFFFFF  }
0xc0: {  	_ =	task.clear_ibuf [dreg:s6], $0x2FFFF;
	_ =	strace $0x9FFFFFFF  }
0xc1: {  	(tm) =	ssettm $0x7FFFFFFF  }
tec
execute0_lowered:
.L_overlay_start_1:
0x0: {  	(tag) =	ssettag $0x1  }
0x1: {  	s1 =	srdreg.scid;
	s0 =	stileid.u32  }
0x2: {  	s5 =	rddreg [dreg:$0x0];
	s2 =	simm.s32 $0x0;
	s10 =	simm.s32 $0x0  }
0x3: {  	s4 =	sand.u32 $0x1, s1;
	s29 =	sshll.u32 s0, $0x1;
	s6 =	smul.u32 $0x1E8480, s0  }
0x4: {  	s1 =	rddreg [dreg:$0x1];
	s3 =	sor.u32 s4, s29;
	s8 =	smul.u32 $0xF4240, s4  }
0x5: {  	[smem:$0x7FF] =	sst s2;
	s7 =	ssub.s32 $0x2, s4;
	s3 =	smul.u32 $0x2C240, s3  }
0x6: {  	_ =	strace $0x80000047;
	s4 =	sadd.s32 $0x200, s5;
	s30 =	sshrl.u32 s7, $0x1  }
0x7: {  	s7 =	ssub.s32 s7, s30;
	s8 =	sadd.s32 s8, s6;
	s9 =	sshrl.u32 s3, $0x3  }
0x8: {  	s6 =	smax.u32 s7, $0x1;
	s7 =	sadd.s32 $0xC802A, s8;
	s31 =	sadd.s32 s4, s9  }
0x9: {  	v0 =	vlaneseq.u32;
	s8 =	sadd.s32 $0xF402A, s8;
	s9 =	simm.s32 $0x1;
	s5 =	sadd.s32 $0x5800, s31  }
.LBB2_1:
0xa: {  	s11 =	smov.u32 s7;
	s12 =	simm.s32 $0x0  }
.LBB2_2:
0xb: {  	v1 =	vadd.s32 s11, v0  }
0xc: {  	v2 =	vshrl.u32 v1, $0x13;
	v3 =	vshll.u32 v1, $0xD  }
0xd: {  	v2 =	vor.u32 v2, v3  }
0xe: {  	v2 =	vxor.u32 v1, v2  }
0xf: {  	v3 =	vshrl.u32 v2, $0x11;
	v4 =	vshll.u32 v2, $0xF  }
0x10: {  	v1 =	vadd.s32 v1, v2;
	v2 =	vor.u32 v3, v4  }
0x11: {  	v2 =	vxor.u32 v1, v2  }
0x12: {  	v3 =	vshrl.u32 v2, $0x6;
	v4 =	vshll.u32 v2, $0x1A  }
0x13: {  	v1 =	vadd.s32 v1, v2;
	v2 =	vor.u32 v3, v4  }
0x14: {  	v2 =	vxor.u32 v1, v2  }
0x15: {  	v3 =	vshrl.u32 v2, $0x1A;
	v4 =	vshll.u32 v2, $0x6  }
0x16: {  	v1 =	vadd.s32 v1, v2;
	v2 =	vor.u32 v3, v4  }
0x17: {  	v2 =	vxor.u32 v1, v2  }
0x18: {  	v2 =	vadd.s32 $0x1BD11BF1, v2  }
0x19: {  	v1 =	vadd.s32 v2, v1;
	v3 =	vshrl.u32 v2, $0xF;
	v2 =	vshll.u32 v2, $0x11  }
0x1a: {  	v1 =	vadd.s32 $0x2A, v1;
	v2 =	vor.u32 v3, v2  }
0x1b: {  	v2 =	vxor.u32 v1, v2  }
0x1c: {  	v3 =	vshrl.u32 v2, $0x3;
	v4 =	vshll.u32 v2, $0x1D  }
0x1d: {  	v1 =	vadd.s32 v1, v2;
	v2 =	vor.u32 v3, v4  }
0x1e: {  	v2 =	vxor.u32 v1, v2  }
0x1f: {  	v3 =	vshrl.u32 v2, $0x10;
	v4 =	vshll.u32 v2, $0x10  }
0x20: {  	v1 =	vadd.s32 v1, v2;
	v2 =	vor.u32 v3, v4  }
0x21: {  	v2 =	vxor.u32 v1, v2  }
0x22: {  	v3 =	vshrl.u32 v2, $0x8;
	v4 =	vshll.u32 v2, $0x18  }
0x23: {  	s16 =	sadd.s32 $0x10, s11;
	v1 =	vadd.s32 v1, v2;
	v2 =	vor.u32 v3, v4  }
0x24: {  	v3 =	vadd.s32 s16, v0;
	v2 =	vxor.u32 v1, v2  }
0x25: {  	v4 =	vshrl.u32 v3, $0x13;
	v5 =	vshll.u32 v3, $0xD;
	v2 =	vadd.s32 $0x2, v2  }
0x26: {  	v1 =	vadd.s32 v2, v1;
	v6 =	vshrl.u32 v2, $0x13;
	v2 =	vshll.u32 v2, $0xD  }
0x27: {  	v4 =	vor.u32 v4, v5;
	v1 =	vadd.s32 $0x1BD11BF0, v1;
	v2 =	vor.u32 v6, v2  }
0x28: {  	v4 =	vxor.u32 v3, v4;
	v2 =	vxor.u32 v1, v2  }
0x29: {  	v5 =	vshrl.u32 v4, $0x11;
	v6 =	vshrl.u32 v2, $0x11;
	v7 =	vshll.u32 v2, $0xF  }
0x2a: {  	v8 =	vshll.u32 v4, $0xF;
	v1 =	vadd.s32 v1, v2;
	v2 =	vor.u32 v6, v7  }
0x2b: {  	v3 =	vadd.s32 v3, v4;
	v4 =	vor.u32 v5, v8;
	v5 =	vxor.u32 v1, v2  }
0x2c: {  	v4 =	vxor.u32 v3, v4;
	v6 =	vshrl.u32 v5, $0x6;
	v7 =	vshll.u32 v5, $0x1A  }
0x2d: {  	v2 =	vadd.s32 v3, v4;
	v1 =	vadd.s32 v1, v5;
	v3 =	vor.u32 v6, v7  }
0x2e: {  	v5 =	vshrl.u32 v4, $0x6;
	v4 =	vshll.u32 v4, $0x1A;
	v3 =	vxor.u32 v1, v3  }
0x2f: {  	s13 =	sshll.u32 s12, $0xD;
	v4 =	vor.u32 v5, v4;
	v5 =	vshrl.u32 v3, $0x1A;
	v6 =	vshll.u32 v3, $0x6  }
0x30: {  	s15 =	simm.s32 $0x0;
	s14 =	simm.s32 $0x40;
	s17 =	simm.s32 $0x80;
	v4 =	vxor.u32 v2, v4;
	v1 =	vadd.s32 v1, v3;
	v3 =	vor.u32 v5, v6  }
.LBB2_3:
0x31: {  	p0 =	sne.s32 s17, $0x7FC0;
	v2 =	vadd.s32 v2, v4;
	v3 =	vxor.u32 v1, v3  }
0x32: {  	v5 =	vshrl.u32 v4, $0x1A;
	v4 =	vshll.u32 v4, $0x6;
	v3 =	vadd.s32 $0x2D, v3  }
0x33: {  	v4 =	vor.u32 v5, v4;
	v5 =	vshrl.u32 v3, $0xF;
	v6 =	vshll.u32 v3, $0x11  }
0x34: {  	s16 =	sadd.s32 $0x10, s16;
	v4 =	vxor.u32 v2, v4;
	v1 =	vadd.s32 v1, v3;
	v3 =	vor.u32 v5, v6  }
0x35: {  	v5 =	vadd.s32 s16, v0;
	v4 =	vadd.s32 $0x1BD11BF1, v4;
	v3 =	vxor.u32 v1, v3  }
0x36: {  	v2 =	vadd.s32 v4, v2;
	v6 =	vshrl.u32 v3, $0x3;
	v7 =	vshll.u32 v3, $0x1D  }
0x37: {  	v8 =	vshrl.u32 v4, $0xF;
	v1 =	vadd.s32 v1, v3;
	v3 =	vor.u32 v6, v7  }
0x38: {  	v4 =	vshll.u32 v4, $0x11;
	v2 =	vadd.s32 $0x2A, v2;
	v3 =	vxor.u32 v1, v3  }
0x39: {  	v4 =	vor.u32 v8, v4;
	v6 =	vshrl.u32 v3, $0x10;
	v7 =	vshll.u32 v3, $0x10  }
0x3a: {  	v4 =	vxor.u32 v2, v4;
	v1 =	vadd.s32 v1, v3;
	v3 =	vor.u32 v6, v7  }
0x3b: {  	v2 =	vadd.s32 v2, v4;
	v6 =	vshrl.u32 v4, $0x3;
	v3 =	vxor.u32 v1, v3  }
0x3c: {  	v4 =	vshll.u32 v4, $0x1D;
	v7 =	vshrl.u32 v3, $0x8;
	v8 =	vshll.u32 v3, $0x18  }
0x3d: {  	v4 =	vor.u32 v6, v4;
	v1 =	vadd.s32 v1, v3;
	v3 =	vor.u32 v7, v8  }
0x3e: {  	v6 =	vshrl.u32 v5, $0x13;
	v4 =	vxor.u32 v2, v4;
	v3 =	vxor.u32 v1, v3  }
0x3f: {  	v7 =	vshll.u32 v5, $0xD;
	v8 =	vshrl.u32 v4, $0x10;
	v3 =	vadd.s32 $0x1BD11BF4, v3  }
0x40: {  	v1 =	vadd.s32 v3, v1;
	v9 =	vshrl.u32 v3, $0x13;
	v3 =	vshll.u32 v3, $0xD  }
0x41: {  	v10 =	vshll.u32 v4, $0x10;
	v1 =	vadd.s32 $0x2A, v1;
	v3 =	vor.u32 v9, v3  }
0x42: {  	v2 =	vadd.s32 v2, v4;
	v4 =	vor.u32 v8, v10;
	v3 =	vxor.u32 v1, v3  }
0x43: {  	v4 =	vxor.u32 v2, v4;
	v8 =	vshrl.u32 v3, $0x11;
	v9 =	vshll.u32 v3, $0xF  }
0x44: {  	v2 =	vadd.s32 v2, v4;
	v1 =	vadd.s32 v1, v3;
	v3 =	vor.u32 v8, v9  }
0x45: {  	v8 =	vshrl.u32 v4, $0x8;
	v4 =	vshll.u32 v4, $0x18;
	v3 =	vxor.u32 v1, v3  }
0x46: {  	v4 =	vor.u32 v8, v4;
	v8 =	vshrl.u32 v3, $0x6;
	v9 =	vshll.u32 v3, $0x1A  }
0x47: {  	v4 =	vxor.u32 v2, v4;
	v1 =	vadd.s32 v1, v3;
	v3 =	vor.u32 v8, v9  }
0x48: {  	v6 =	vor.u32 v6, v7;
	v4 =	vadd.s32 $0x2, v4;
	v3 =	vxor.u32 v1, v3  }
0x49: {  	v2 =	vadd.s32 v4, v2;
	v7 =	vshrl.u32 v3, $0x1A;
	v8 =	vshll.u32 v3, $0x6  }
0x4a: {  	v9 =	vshrl.u32 v4, $0x13;
	v1 =	vadd.s32 v1, v3;
	v3 =	vor.u32 v7, v8  }
0x4b: {  	v4 =	vshll.u32 v4, $0xD;
	v2 =	vadd.s32 $0x1BD11BF0, v2;
	v3 =	vxor.u32 v1, v3  }
0x4c: {  	v4 =	vor.u32 v9, v4;
	v1 =	vadd.s32 $0x1BD11BF0, v1;
	v3 =	vadd.s32 $0x5, v3  }
0x4d: {  	s18 =	sshra.s32 s15, $0x2;
	s15 =	smov.u32 s14;
	s14 =	smov.u32 s17;
	v6 =	vxor.u32 v5, v6;
	v4 =	vxor.u32 v2, v4;
	v1 =	vxor.u32 v1, v3  }
0x4e: {  	v7 =	vshrl.u32 v4, $0x11;
	v8 =	vshll.u32 v4, $0xF;
	v3 =	vshrl.u32 v6, $0x11;
	[tilespmem:s18+$0x0] =	vst v1  }
0x4f: {  	v4 =	vadd.s32 v2, v4;
	v2 =	vor.u32 v7, v8;
	v1 =	vshll.u32 v6, $0xF  }
0x50: {  	v5 =	vadd.s32 v5, v6;
	v1 =	vor.u32 v3, v1;
	v3 =	vxor.u32 v4, v2  }
.Ltmp0:
0x51: {  	v1 =	vxor.u32 v5, v1;
	v6 =	vshrl.u32 v3, $0x6;
	v7 =	vshll.u32 v3, $0x1A;
	(pc) =	sbr.rel @p0 .LBB2_3-.Ltmp0, $4  }
0x52: {  	v3 =	vadd.s32 v4, v3;
	v2 =	vadd.s32 v5, v1;
	v4 =	vor.u32 v6, v7  }
0x53: {  	v5 =	vshrl.u32 v1, $0x6;
	v1 =	vshll.u32 v1, $0x1A;
	v6 =	vxor.u32 v3, v4  }
0x54: {  	v1 =	vor.u32 v5, v1;
	v5 =	vshrl.u32 v6, $0x1A;
	v7 =	vshll.u32 v6, $0x6  }
0x55: {  	s17 =	sadd.s32 $0x40, s17;
	v4 =	vxor.u32 v2, v1;
	v1 =	vadd.s32 v3, v6;
	v3 =	vor.u32 v5, v7  }
0x56: {  	v5 =	vshrl.u32 v4, $0x1A;
	v6 =	vshll.u32 v4, $0x6  }
0x57: {  	v2 =	vadd.s32 v2, v4;
	v12 =	vor.u32 v5, v6  }
0x58: {  	v4 =	vxor.u32 v2, v12  }
0x59: {  	v4 =	vadd.s32 $0x1BD11BF1, v4  }
0x5a: {  	v2 =	vadd.s32 v4, v2;
	v13 =	vshrl.u32 v4, $0xF;
	v4 =	vshll.u32 v4, $0x11  }
0x5b: {  	v2 =	vadd.s32 $0x2A, v2;
	v4 =	vor.u32 v13, v4  }
0x5c: {  	v4 =	vxor.u32 v2, v4  }
0x5d: {  	v14 =	vshrl.u32 v4, $0x3;
	v15 =	vshll.u32 v4, $0x1D  }
0x5e: {  	v2 =	vadd.s32 v2, v4;
	v16 =	vor.u32 v14, v15  }
0x5f: {  	v4 =	vxor.u32 v2, v16  }
0x60: {  	v17 =	vshrl.u32 v4, $0x10;
	v18 =	vshll.u32 v4, $0x10  }
0x61: {  	v2 =	vadd.s32 v2, v4;
	v19 =	vor.u32 v17, v18  }
0x62: {  	v4 =	vxor.u32 v2, v19  }
0x63: {  	v20 =	vshrl.u32 v4, $0x8;
	v21 =	vshll.u32 v4, $0x18  }
0x64: {  	v2 =	vadd.s32 v2, v4;
	v22 =	vor.u32 v20, v21  }
0x65: {  	v4 =	vxor.u32 v2, v22  }
0x66: {  	v4 =	vadd.s32 $0x2, v4  }
0x67: {  	v2 =	vadd.s32 v4, v2;
	v23 =	vshrl.u32 v4, $0x13;
	v4 =	vshll.u32 v4, $0xD  }
0x68: {  	v3 =	vxor.u32 v1, v3;
	v2 =	vadd.s32 $0x1BD11BF0, v2;
	v4 =	vor.u32 v23, v4  }
0x69: {  	v3 =	vadd.s32 $0x2D, v3;
	v4 =	vxor.u32 v2, v4  }
0x6a: {  	v24 =	vshrl.u32 v3, $0xF;
	v25 =	vshrl.u32 v4, $0x11;
	v7 =	vshll.u32 v4, $0xF  }
0x6b: {  	v26 =	vshll.u32 v3, $0x11;
	v2 =	vadd.s32 v2, v4;
	v6 =	vor.u32 v25, v7  }
0x6c: {  	v1 =	vadd.s32 v1, v3;
	v3 =	vor.u32 v24, v26;
	v27 =	vxor.u32 v2, v6  }
0x6d: {  	v3 =	vxor.u32 v1, v3;
	v28 =	vshrl.u32 v27, $0x6;
	v6 =	vshll.u32 v27, $0x1A  }
0x6e: {  	v29 =	vshrl.u32 v3, $0x3;
	v2 =	vadd.s32 v2, v27;
	v30 =	vor.u32 v28, v6  }
0x6f: {  	v31 =	vshll.u32 v3, $0x1D;
	v1 =	vadd.s32 v1, v3;
	v3 =	vxor.u32 v2, v30  }
0x70: {  	v32 =	vor.u32 v29, v31;
	v33 =	vshrl.u32 v3, $0x1A;
	v34 =	vshll.u32 v3, $0x6  }
0x71: {  	v4 =	vxor.u32 v1, v32;
	v2 =	vadd.s32 v2, v3;
	v3 =	vor.u32 v33, v34  }
0x72: {  	v35 =	vshrl.u32 v4, $0x10;
	v36 =	vshll.u32 v4, $0x10;
	v3 =	vxor.u32 v2, v3  }
0x73: {  	v1 =	vadd.s32 v1, v4;
	v37 =	vor.u32 v35, v36;
	v3 =	vadd.s32 $0x2D, v3  }
0x74: {  	v4 =	vxor.u32 v1, v37;
	v38 =	vshrl.u32 v3, $0xF;
	v39 =	vshll.u32 v3, $0x11  }
0x75: {  	v40 =	vshrl.u32 v4, $0x8;
	v2 =	vadd.s32 v2, v3;
	v3 =	vor.u32 v38, v39  }
0x76: {  	v41 =	vshll.u32 v4, $0x18;
	v1 =	vadd.s32 v1, v4;
	v3 =	vxor.u32 v2, v3  }
0x77: {  	v42 =	vor.u32 v40, v41;
	v43 =	vshrl.u32 v3, $0x3;
	v44 =	vshll.u32 v3, $0x1D  }
0x78: {  	v4 =	vxor.u32 v1, v42;
	v2 =	vadd.s32 v2, v3;
	v3 =	vor.u32 v43, v44  }
0x79: {  	v4 =	vadd.s32 $0x1BD11BF4, v4;
	v3 =	vxor.u32 v2, v3  }
0x7a: {  	v1 =	vadd.s32 v4, v1;
	v45 =	vshrl.u32 v3, $0x10;
	v46 =	vshll.u32 v3, $0x10  }
0x7b: {  	v47 =	vshrl.u32 v4, $0x13;
	v2 =	vadd.s32 v2, v3;
	v3 =	vor.u32 v45, v46  }
0x7c: {  	v4 =	vshll.u32 v4, $0xD;
	v1 =	vadd.s32 $0x2A, v1;
	v3 =	vxor.u32 v2, v3  }
0x7d: {  	v4 =	vor.u32 v47, v4;
	v48 =	vshrl.u32 v3, $0x8;
	v49 =	vshll.u32 v3, $0x18  }
0x7e: {  	v4 =	vxor.u32 v1, v4;
	v2 =	vadd.s32 v2, v3;
	v3 =	vor.u32 v48, v49  }
0x7f: {  	v50 =	vshrl.u32 v4, $0x11;
	v3 =	vxor.u32 v2, v3  }
0x80: {  	v51 =	vshll.u32 v4, $0xF;
	v1 =	vadd.s32 v1, v4;
	v3 =	vadd.s32 $0x1BD11BF4, v3  }
0x81: {  	v2 =	vadd.s32 v3, v2;
	v52 =	vshrl.u32 v3, $0x13;
	v3 =	vshll.u32 v3, $0xD  }
0x82: {  	v5 =	vor.u32 v50, v51;
	v2 =	vadd.s32 $0x2A, v2;
	v3 =	vor.u32 v52, v3  }
0x83: {  	v53 =	vxor.u32 v1, v5;
	v3 =	vxor.u32 v2, v3  }
0x84: {  	v5 =	vshrl.u32 v53, $0x6;
	v54 =	vshrl.u32 v3, $0x11;
	v55 =	vshll.u32 v3, $0xF  }
0x85: {  	v2 =	vadd.s32 v2, v3;
	v3 =	vshll.u32 v53, $0x1A;
	v6 =	vor.u32 v54, v55  }
0x86: {  	v1 =	vadd.s32 v1, v53;
	v3 =	vor.u32 v5, v3;
	v56 =	vxor.u32 v2, v6  }
0x87: {  	v3 =	vxor.u32 v1, v3;
	v57 =	vshrl.u32 v56, $0x6;
	v6 =	vshll.u32 v56, $0x1A  }
0x88: {  	v58 =	vshrl.u32 v3, $0x1A;
	v2 =	vadd.s32 v2, v56;
	v59 =	vor.u32 v57, v6  }
0x89: {  	v60 =	vshll.u32 v3, $0x6;
	v1 =	vadd.s32 v1, v3;
	v3 =	vxor.u32 v2, v59  }
0x8a: {  	v61 =	vor.u32 v58, v60;
	v62 =	vshrl.u32 v3, $0x1A;
	v63 =	vshll.u32 v3, $0x6  }
0x8b: {  	v4 =	vxor.u32 v1, v61;
	v2 =	vadd.s32 v2, v3;
	v3 =	vor.u32 v62, v63  }
0x8c: {  	v1 =	vadd.s32 $0x1BD11BF0, v1;
	v4 =	vadd.s32 $0x5, v4;
	v3 =	vxor.u32 v2, v3  }
0x8d: {  	s15 =	sshra.s32 s15, $0x2;
	s13 =	sadd.s32 s3, s13;
	s12 =	sadd.s32 $0x1, s12;
	v1 =	vxor.u32 v1, v4;
	v2 =	vadd.s32 $0x1BD11BF0, v2;
	v3 =	vadd.s32 $0x5, v3  }
0x8e: {  	s14 =	sshra.s32 s14, $0x2;
	s13 =	sshrl.u32 s13, $0x3;
	p0 =	sne.s32 s12, $0x16;
	[tilespmem:s15+$0x0] =	vst v1;
	v1 =	vxor.u32 v2, v3  }
.Ltmp1:
0x8f: {  	s31 =	sadd.s32 s4, s13;
	s13 =	simm.s32 $0x0;
	[tilespmem:s14+$0x0] =	vst v1;
	(pc) =	sbr.rel @p0 .LBB2_2-.Ltmp1, $4  }
0x90: {  	[hbm4b:s31+s13] =	stream.linear.scatter [tilespmem:s13], [sflag:$0x1], $0x2000, $0x38;
	[tilespmem:$0x2000] =	vst v63  }
0x91: {  	_ =	swait.ge [sflag:s9], $0x2000  }
0x92: {  	[sflag:s9] =	ssyncset.done $0x0  }
0x93: {  	s11 =	sadd.s32 $0x2000, s11;
	[sflag:s9] =	ssyncadd.s32 $0xFFFFE000  }
0x94: {  	v1 =	vadd.s32 s8, v0  }
0x95: {  	v2 =	vshrl.u32 v1, $0x13;
	v3 =	vshll.u32 v1, $0xD  }
0x96: {  	v2 =	vor.u32 v2, v3  }
0x97: {  	v2 =	vxor.u32 v1, v2  }
0x98: {  	v3 =	vshrl.u32 v2, $0x11;
	v4 =	vshll.u32 v2, $0xF  }
0x99: {  	v1 =	vadd.s32 v1, v2;
	v2 =	vor.u32 v3, v4  }
0x9a: {  	v2 =	vxor.u32 v1, v2  }
0x9b: {  	v3 =	vshrl.u32 v2, $0x6;
	v4 =	vshll.u32 v2, $0x1A  }
0x9c: {  	v1 =	vadd.s32 v1, v2;
	v2 =	vor.u32 v3, v4  }
0x9d: {  	v2 =	vxor.u32 v1, v2  }
0x9e: {  	v3 =	vshrl.u32 v2, $0x1A;
	v4 =	vshll.u32 v2, $0x6  }
0x9f: {  	v1 =	vadd.s32 v1, v2;
	v2 =	vor.u32 v3, v4  }
0xa0: {  	v2 =	vxor.u32 v1, v2  }
0xa1: {  	v2 =	vadd.s32 $0x1BD11BF1, v2  }
0xa2: {  	v1 =	vadd.s32 v2, v1;
	v3 =	vshrl.u32 v2, $0xF;
	v2 =	vshll.u32 v2, $0x11  }
0xa3: {  	v1 =	vadd.s32 $0x2A, v1;
	v2 =	vor.u32 v3, v2  }
0xa4: {  	v2 =	vxor.u32 v1, v2  }
0xa5: {  	v3 =	vshrl.u32 v2, $0x3;
	v4 =	vshll.u32 v2, $0x1D  }
0xa6: {  	v1 =	vadd.s32 v1, v2;
	v2 =	vor.u32 v3, v4  }
0xa7: {  	v2 =	vxor.u32 v1, v2  }
0xa8: {  	v3 =	vshrl.u32 v2, $0x10;
	v4 =	vshll.u32 v2, $0x10  }
0xa9: {  	v1 =	vadd.s32 v1, v2;
	v2 =	vor.u32 v3, v4  }
0xaa: {  	v2 =	vxor.u32 v1, v2  }
0xab: {  	v3 =	vshrl.u32 v2, $0x8;
	v4 =	vshll.u32 v2, $0x18  }
0xac: {  	s12 =	sadd.s32 $0x10, s8;
	v1 =	vadd.s32 v1, v2;
	v2 =	vor.u32 v3, v4  }
0xad: {  	v3 =	vadd.s32 s12, v0;
	v2 =	vxor.u32 v1, v2  }
0xae: {  	v4 =	vshrl.u32 v3, $0x13;
	v5 =	vshll.u32 v3, $0xD;
	v2 =	vadd.s32 $0x2, v2  }
0xaf: {  	v1 =	vadd.s32 v2, v1;
	v6 =	vshrl.u32 v2, $0x13;
	v2 =	vshll.u32 v2, $0xD  }
0xb0: {  	v4 =	vor.u32 v4, v5;
	v1 =	vadd.s32 $0x1BD11BF0, v1;
	v2 =	vor.u32 v6, v2  }
0xb1: {  	v4 =	vxor.u32 v3, v4;
	v2 =	vxor.u32 v1, v2  }
0xb2: {  	v5 =	vshrl.u32 v4, $0x11;
	v6 =	vshrl.u32 v2, $0x11;
	v7 =	vshll.u32 v2, $0xF  }
0xb3: {  	v8 =	vshll.u32 v4, $0xF;
	v1 =	vadd.s32 v1, v2;
	v2 =	vor.u32 v6, v7  }
0xb4: {  	v3 =	vadd.s32 v3, v4;
	v4 =	vor.u32 v5, v8;
	v2 =	vxor.u32 v1, v2  }
0xb5: {  	v4 =	vxor.u32 v3, v4;
	v5 =	vshrl.u32 v2, $0x6;
	v6 =	vshll.u32 v2, $0x1A  }
0xb6: {  	v3 =	vadd.s32 v3, v4;
	v1 =	vadd.s32 v1, v2;
	v2 =	vor.u32 v5, v6  }
0xb7: {  	v5 =	vshrl.u32 v4, $0x6;
	v4 =	vshll.u32 v4, $0x1A;
	v2 =	vxor.u32 v1, v2  }
0xb8: {  	v4 =	vor.u32 v5, v4;
	v5 =	vshrl.u32 v2, $0x1A;
	v6 =	vshll.u32 v2, $0x6  }
0xb9: {  	s11 =	simm.s32 $0x40;
	s14 =	simm.s32 $0x80;
	v4 =	vxor.u32 v3, v4;
	v1 =	vadd.s32 v1, v2;
	v2 =	vor.u32 v5, v6  }
.LBB2_6:
0xba: {  	p0 =	sne.s32 s14, $0x8C0;
	v3 =	vadd.s32 v3, v4;
	v2 =	vxor.u32 v1, v2  }
0xbb: {  	v5 =	vshrl.u32 v4, $0x1A;
	v4 =	vshll.u32 v4, $0x6;
	v2 =	vadd.s32 $0x2D, v2  }
0xbc: {  	v4 =	vor.u32 v5, v4;
	v5 =	vshrl.u32 v2, $0xF;
	v6 =	vshll.u32 v2, $0x11  }
0xbd: {  	s12 =	sadd.s32 $0x10, s12;
	v4 =	vxor.u32 v3, v4;
	v1 =	vadd.s32 v1, v2;
	v2 =	vor.u32 v5, v6  }
0xbe: {  	v5 =	vadd.s32 s12, v0;
	v4 =	vadd.s32 $0x1BD11BF1, v4;
	v2 =	vxor.u32 v1, v2  }
0xbf: {  	v3 =	vadd.s32 v4, v3;
	v6 =	vshrl.u32 v2, $0x3;
	v7 =	vshll.u32 v2, $0x1D  }
0xc0: {  	v8 =	vshrl.u32 v4, $0xF;
	v1 =	vadd.s32 v1, v2;
	v2 =	vor.u32 v6, v7  }
0xc1: {  	v4 =	vshll.u32 v4, $0x11;
	v3 =	vadd.s32 $0x2A, v3;
	v2 =	vxor.u32 v1, v2  }
0xc2: {  	v4 =	vor.u32 v8, v4;
	v6 =	vshrl.u32 v2, $0x10;
	v7 =	vshll.u32 v2, $0x10  }
0xc3: {  	v4 =	vxor.u32 v3, v4;
	v1 =	vadd.s32 v1, v2;
	v2 =	vor.u32 v6, v7  }
0xc4: {  	v3 =	vadd.s32 v3, v4;
	v6 =	vshrl.u32 v4, $0x3;
	v2 =	vxor.u32 v1, v2  }
0xc5: {  	v4 =	vshll.u32 v4, $0x1D;
	v7 =	vshrl.u32 v2, $0x8;
	v8 =	vshll.u32 v2, $0x18  }
0xc6: {  	v4 =	vor.u32 v6, v4;
	v1 =	vadd.s32 v1, v2;
	v2 =	vor.u32 v7, v8  }
0xc7: {  	v6 =	vshrl.u32 v5, $0x13;
	v4 =	vxor.u32 v3, v4;
	v2 =	vxor.u32 v1, v2  }
0xc8: {  	v7 =	vshll.u32 v5, $0xD;
	v8 =	vshrl.u32 v4, $0x10;
	v2 =	vadd.s32 $0x1BD11BF4, v2  }
0xc9: {  	v1 =	vadd.s32 v2, v1;
	v9 =	vshrl.u32 v2, $0x13;
	v2 =	vshll.u32 v2, $0xD  }
0xca: {  	v10 =	vshll.u32 v4, $0x10;
	v1 =	vadd.s32 $0x2A, v1;
	v2 =	vor.u32 v9, v2  }
0xcb: {  	v3 =	vadd.s32 v3, v4;
	v4 =	vor.u32 v8, v10;
	v2 =	vxor.u32 v1, v2  }
0xcc: {  	v4 =	vxor.u32 v3, v4;
	v8 =	vshrl.u32 v2, $0x11;
	v9 =	vshll.u32 v2, $0xF  }
0xcd: {  	v3 =	vadd.s32 v3, v4;
	v1 =	vadd.s32 v1, v2;
	v2 =	vor.u32 v8, v9  }
0xce: {  	v8 =	vshrl.u32 v4, $0x8;
	v4 =	vshll.u32 v4, $0x18;
	v2 =	vxor.u32 v1, v2  }
0xcf: {  	v4 =	vor.u32 v8, v4;
	v8 =	vshrl.u32 v2, $0x6;
	v9 =	vshll.u32 v2, $0x1A  }
0xd0: {  	v4 =	vxor.u32 v3, v4;
	v1 =	vadd.s32 v1, v2;
	v2 =	vor.u32 v8, v9  }
0xd1: {  	v6 =	vor.u32 v6, v7;
	v4 =	vadd.s32 $0x2, v4;
	v2 =	vxor.u32 v1, v2  }
0xd2: {  	v3 =	vadd.s32 v4, v3;
	v7 =	vshrl.u32 v2, $0x1A;
	v8 =	vshll.u32 v2, $0x6  }
0xd3: {  	v9 =	vshrl.u32 v4, $0x13;
	v1 =	vadd.s32 v1, v2;
	v2 =	vor.u32 v7, v8  }
0xd4: {  	v4 =	vshll.u32 v4, $0xD;
	v3 =	vadd.s32 $0x1BD11BF0, v3;
	v2 =	vxor.u32 v1, v2  }
0xd5: {  	v4 =	vor.u32 v9, v4;
	v1 =	vadd.s32 $0x1BD11BF0, v1;
	v2 =	vadd.s32 $0x5, v2  }
0xd6: {  	s15 =	sshra.s32 s13, $0x2;
	s13 =	smov.u32 s11;
	s11 =	smov.u32 s14;
	v6 =	vxor.u32 v5, v6;
	v4 =	vxor.u32 v3, v4;
	v1 =	vxor.u32 v1, v2  }
0xd7: {  	v7 =	vshrl.u32 v4, $0x11;
	v8 =	vshll.u32 v4, $0xF;
	v2 =	vshrl.u32 v6, $0x11;
	[tilespmem:s15+$0x0] =	vst v1  }
0xd8: {  	v4 =	vadd.s32 v3, v4;
	v3 =	vor.u32 v7, v8;
	v1 =	vshll.u32 v6, $0xF  }
0xd9: {  	v5 =	vadd.s32 v5, v6;
	v1 =	vor.u32 v2, v1;
	v2 =	vxor.u32 v4, v3  }
.Ltmp2:
0xda: {  	v1 =	vxor.u32 v5, v1;
	v6 =	vshrl.u32 v2, $0x6;
	v7 =	vshll.u32 v2, $0x1A;
	(pc) =	sbr.rel @p0 .LBB2_6-.Ltmp2, $4  }
0xdb: {  	v2 =	vadd.s32 v4, v2;
	v3 =	vadd.s32 v5, v1;
	v4 =	vor.u32 v6, v7  }
0xdc: {  	v5 =	vshrl.u32 v1, $0x6;
	v1 =	vshll.u32 v1, $0x1A;
	v6 =	vxor.u32 v2, v4  }
0xdd: {  	v1 =	vor.u32 v5, v1;
	v5 =	vshrl.u32 v6, $0x1A;
	v7 =	vshll.u32 v6, $0x6  }
0xde: {  	s14 =	sadd.s32 $0x40, s14;
	v4 =	vxor.u32 v3, v1;
	v1 =	vadd.s32 v2, v6;
	v2 =	vor.u32 v5, v7  }
0xdf: {  	v5 =	vshrl.u32 v4, $0x1A;
	v6 =	vshll.u32 v4, $0x6  }
0xe0: {  	v3 =	vadd.s32 v3, v4;
	v12 =	vor.u32 v5, v6  }
0xe1: {  	v4 =	vxor.u32 v3, v12  }
0xe2: {  	v4 =	vadd.s32 $0x1BD11BF1, v4  }
0xe3: {  	v3 =	vadd.s32 v4, v3;
	v13 =	vshrl.u32 v4, $0xF;
	v4 =	vshll.u32 v4, $0x11  }
0xe4: {  	v3 =	vadd.s32 $0x2A, v3;
	v4 =	vor.u32 v13, v4  }
0xe5: {  	v4 =	vxor.u32 v3, v4  }
0xe6: {  	v14 =	vshrl.u32 v4, $0x3;
	v15 =	vshll.u32 v4, $0x1D  }
0xe7: {  	v3 =	vadd.s32 v3, v4;
	v16 =	vor.u32 v14, v15  }
0xe8: {  	v4 =	vxor.u32 v3, v16  }
0xe9: {  	v17 =	vshrl.u32 v4, $0x10;
	v18 =	vshll.u32 v4, $0x10  }
0xea: {  	v3 =	vadd.s32 v3, v4;
	v19 =	vor.u32 v17, v18  }
0xeb: {  	v4 =	vxor.u32 v3, v19  }
0xec: {  	v20 =	vshrl.u32 v4, $0x8;
	v21 =	vshll.u32 v4, $0x18  }
0xed: {  	v3 =	vadd.s32 v3, v4;
	v22 =	vor.u32 v20, v21  }
0xee: {  	v4 =	vxor.u32 v3, v22  }
0xef: {  	v4 =	vadd.s32 $0x2, v4  }
0xf0: {  	v3 =	vadd.s32 v4, v3;
	v23 =	vshrl.u32 v4, $0x13;
	v4 =	vshll.u32 v4, $0xD  }
0xf1: {  	v2 =	vxor.u32 v1, v2;
	v3 =	vadd.s32 $0x1BD11BF0, v3;
	v4 =	vor.u32 v23, v4  }
0xf2: {  	v2 =	vadd.s32 $0x2D, v2;
	v4 =	vxor.u32 v3, v4  }
0xf3: {  	v24 =	vshrl.u32 v2, $0xF;
	v25 =	vshrl.u32 v4, $0x11;
	v7 =	vshll.u32 v4, $0xF  }
0xf4: {  	v26 =	vshll.u32 v2, $0x11;
	v3 =	vadd.s32 v3, v4;
	v6 =	vor.u32 v25, v7  }
0xf5: {  	v1 =	vadd.s32 v1, v2;
	v2 =	vor.u32 v24, v26;
	v27 =	vxor.u32 v3, v6  }
0xf6: {  	v2 =	vxor.u32 v1, v2;
	v28 =	vshrl.u32 v27, $0x6;
	v6 =	vshll.u32 v27, $0x1A  }
0xf7: {  	v29 =	vshrl.u32 v2, $0x3;
	v3 =	vadd.s32 v3, v27;
	v30 =	vor.u32 v28, v6  }
0xf8: {  	v31 =	vshll.u32 v2, $0x1D;
	v1 =	vadd.s32 v1, v2;
	v2 =	vxor.u32 v3, v30  }
0xf9: {  	v32 =	vor.u32 v29, v31;
	v33 =	vshrl.u32 v2, $0x1A;
	v34 =	vshll.u32 v2, $0x6  }
0xfa: {  	v4 =	vxor.u32 v1, v32;
	v2 =	vadd.s32 v3, v2;
	v3 =	vor.u32 v33, v34  }
0xfb: {  	v35 =	vshrl.u32 v4, $0x10;
	v36 =	vshll.u32 v4, $0x10;
	v3 =	vxor.u32 v2, v3  }
0xfc: {  	v1 =	vadd.s32 v1, v4;
	v37 =	vor.u32 v35, v36;
	v3 =	vadd.s32 $0x2D, v3  }
0xfd: {  	v4 =	vxor.u32 v1, v37;
	v38 =	vshrl.u32 v3, $0xF;
	v39 =	vshll.u32 v3, $0x11  }
0xfe: {  	v40 =	vshrl.u32 v4, $0x8;
	v2 =	vadd.s32 v2, v3;
	v3 =	vor.u32 v38, v39  }
0xff: {  	v41 =	vshll.u32 v4, $0x18;
	v1 =	vadd.s32 v1, v4;
	v3 =	vxor.u32 v2, v3  }
0x100: {  	v42 =	vor.u32 v40, v41;
	v43 =	vshrl.u32 v3, $0x3;
	v44 =	vshll.u32 v3, $0x1D  }
0x101: {  	v4 =	vxor.u32 v1, v42;
	v2 =	vadd.s32 v2, v3;
	v3 =	vor.u32 v43, v44  }
0x102: {  	v4 =	vadd.s32 $0x1BD11BF4, v4;
	v3 =	vxor.u32 v2, v3  }
0x103: {  	v1 =	vadd.s32 v4, v1;
	v45 =	vshrl.u32 v3, $0x10;
	v46 =	vshll.u32 v3, $0x10  }
0x104: {  	v47 =	vshrl.u32 v4, $0x13;
	v2 =	vadd.s32 v2, v3;
	v3 =	vor.u32 v45, v46  }
0x105: {  	v4 =	vshll.u32 v4, $0xD;
	v1 =	vadd.s32 $0x2A, v1;
	v3 =	vxor.u32 v2, v3  }
0x106: {  	v4 =	vor.u32 v47, v4;
	v48 =	vshrl.u32 v3, $0x8;
	v49 =	vshll.u32 v3, $0x18  }
0x107: {  	v4 =	vxor.u32 v1, v4;
	v2 =	vadd.s32 v2, v3;
	v3 =	vor.u32 v48, v49  }
0x108: {  	v50 =	vshrl.u32 v4, $0x11;
	v3 =	vxor.u32 v2, v3  }
0x109: {  	v51 =	vshll.u32 v4, $0xF;
	v1 =	vadd.s32 v1, v4;
	v3 =	vadd.s32 $0x1BD11BF4, v3  }
0x10a: {  	v2 =	vadd.s32 v3, v2;
	v52 =	vshrl.u32 v3, $0x13;
	v3 =	vshll.u32 v3, $0xD  }
0x10b: {  	v5 =	vor.u32 v50, v51;
	v2 =	vadd.s32 $0x2A, v2;
	v3 =	vor.u32 v52, v3  }
0x10c: {  	v53 =	vxor.u32 v1, v5;
	v3 =	vxor.u32 v2, v3  }
0x10d: {  	v5 =	vshrl.u32 v53, $0x6;
	v54 =	vshrl.u32 v3, $0x11;
	v55 =	vshll.u32 v3, $0xF  }
0x10e: {  	v2 =	vadd.s32 v2, v3;
	v3 =	vshll.u32 v53, $0x1A;
	v6 =	vor.u32 v54, v55  }
0x10f: {  	v1 =	vadd.s32 v1, v53;
	v3 =	vor.u32 v5, v3;
	v56 =	vxor.u32 v2, v6  }
0x110: {  	v3 =	vxor.u32 v1, v3;
	v57 =	vshrl.u32 v56, $0x6;
	v6 =	vshll.u32 v56, $0x1A  }
0x111: {  	v58 =	vshrl.u32 v3, $0x1A;
	v2 =	vadd.s32 v2, v56;
	v59 =	vor.u32 v57, v6  }
0x112: {  	v60 =	vshll.u32 v3, $0x6;
	v1 =	vadd.s32 v1, v3;
	v3 =	vxor.u32 v2, v59  }
0x113: {  	v61 =	vor.u32 v58, v60;
	v62 =	vshrl.u32 v3, $0x1A;
	v63 =	vshll.u32 v3, $0x6  }
0x114: {  	v4 =	vxor.u32 v1, v61;
	v2 =	vadd.s32 v2, v3;
	v3 =	vor.u32 v62, v63  }
0x115: {  	v1 =	vadd.s32 $0x1BD11BF0, v1;
	v4 =	vadd.s32 $0x5, v4;
	v3 =	vxor.u32 v2, v3  }
0x116: {  	s12 =	sshra.s32 s13, $0x2;
	s10 =	sadd.s32 $0x1, s10;
	v1 =	vxor.u32 v1, v4;
	v2 =	vadd.s32 $0x1BD11BF0, v2;
	v3 =	vadd.s32 $0x5, v3  }
0x117: {  	s11 =	sshra.s32 s11, $0x2;
	p0 =	sne.s32 s10, s6;
	[tilespmem:s12+$0x0] =	vst v1;
	v1 =	vxor.u32 v2, v3  }
.Ltmp3:
0x118: {  	[tilespmem:s11+$0x0] =	vst v1;
	(pc) =	sbr.rel @p0 .LBB2_1-.Ltmp3, $4  }
0x119: {  	[hbm4b:s5+s2] =	stream.linear.scatter [tilespmem:s2], [sflag:$0x1], $0x240, $0x38;
	[tilespmem:$0x2000] =	vst v63  }
0x11a: {  	_ =	swait.ge [sflag:s9], $0x240  }
0x11b: {  	[sflag:s9] =	ssyncset.done $0x0  }
0x11c: {  	[sflag:s9] =	ssyncadd.s32 $0xFFFFFDC0  }
0x11d: {  	_ =	sfence.sel $0x180000  }
0x11e: {  	[bflag:$0x0] =	sbarrier.arrive $0xFFFF  }
0x11f: {  	p0 =	sne.s32 s0, $0x0;
	_ =	strace $0x90000047  }
0x120: {  	s0 =	sadd.s32 @!p0 $0x100000, s1;
	[bflag:$0x2] =	sbarrier.arrive $0xFFFF  }
0x121: {  	[sflag:s0] =	ssyncadd.tile.s32 @!p0 $0x1;
	_ =	shalt  }
.Lfunc_end2:
_tile_overlayer_lowered:
.L_overlay_start_2:
0x122: {  	(tag) =	ssettag $0x2  }
0x123: {  	s0 =	rddreg [dreg:$0x0];
	s2 =	stileid.u32  }
0x124: {  	s1 =	rddreg [dreg:$0x1];
	p0 =	sne.s32 s2, $0x0  }
0x125: {  	s3 =	rddreg [dreg:$0x2];
	[bflag:$0x3] =	sbarrier.arrive $0xFFFF;
	s2 =	simm.s32 @!p0 $0x1C01  }
0x126: {  	[timem:s3], [sflag:s2] =	dma.local @!p0 [hbm:s0], s1  }
0x127: {  	s0 =	simm.s32 @!p0 $0x1  }
0x128: {  	_ =	swait.ge @!p0 [sflag:s0], s1  }
0x129: {  	s1 =	ssub.s32 @!p0 $0x0, s1;
	[sflag:s0] =	ssyncset.done @!p0 $0x0  }
0x12a: {  	[sflag:s0] =	ssyncadd.s32 @!p0 s1  }
0x12b: {  	[bflag:$0x3] =	sbarrier.arrive $0xFFFF  }
0x12c: {  	_ =	shalt  }

</sc_bundles>
